<compile_context>
chip_gen: v7x
topology: tpu7x:2x2x1
jax: 0.10.2.dev20260603
libtpu: 0.0.44.dev20260713+nightly
codegen_flags: <defaults>
</compile_context>

<pallas_src>
import functools
import jax
import jax.numpy as jnp
import numpy as np
from jax import lax
from jax.experimental import pallas as pl
from jax.experimental.pallas import tpu as pltpu
from jax.experimental.pallas import tpu_sc as plsc

N = 10000
NB = 128
NI = 3
NRBF = 20
CUTOFF = 5.0
BOX = 54.7
EPS = 1e-08
E_MAX = 524288

_NRBF_PAD = 24
_T = 256
_W = 512
_NPAD = 10240
_NTILES = E_MAX // _T

_NWORKERS = 32
_BPW = E_MAX // _NWORKERS
_GC = 64



def _sc_gather_body(ncols, tab_hbm, idx_hbm, out_hbm, idx_v, rows0, rows1,
                    sg0, sg1, sw0, sw1):
    c = lax.axis_index("c")
    s = lax.axis_index("s")
    wid = s * 2 + c
    base = wid * _BPW
    pltpu.sync_copy(idx_hbm.at[pl.ds(base, _BPW)], idx_v)

    nchunks = _BPW // _GC
    kmax = nchunks // 2

    def _gather(chunk, rows, sem):
        pltpu.async_copy(tab_hbm.at[idx_v.at[pl.ds(chunk * _GC, _GC)]],
                         rows, sem)

    def _wb(chunk, rows, sem):
        pltpu.async_copy(rows, out_hbm.at[pl.ds(base + chunk * _GC, _GC)],
                         sem)

    def _drain(rows, sem):
        pltpu.make_async_copy(out_hbm.at[pl.ds(0, _GC)], rows, sem).wait()

    _gather(0, rows0, sg0)

    def body(k, carry):
        c0 = 2 * k
        _drain(rows0, sg0)
        _gather(c0 + 1, rows1, sg1)
        _wb(c0, rows0, sw0)
        _drain(rows0, sw0)
        @pl.when(k < kmax - 1)
        def _():
            _gather(c0 + 2, rows0, sg0)
        _drain(rows1, sg1)
        _wb(c0 + 1, rows1, sw1)
        _drain(rows1, sw1)
        return carry

    lax.fori_loop(0, kmax, body, 0)


def _sc_gather(tab, idx):
    ncols = tab.shape[1]
    mesh = plsc.VectorSubcoreMesh(core_axis_name="c", subcore_axis_name="s")
    fn = pl.kernel(
        functools.partial(_sc_gather_body, ncols),
        out_type=jax.ShapeDtypeStruct((E_MAX, ncols), jnp.int32),
        mesh=mesh,
        scratch_types=[
            pltpu.VMEM((_BPW,), jnp.int32),
            pltpu.VMEM((_GC, ncols), jnp.int32),
            pltpu.VMEM((_GC, ncols), jnp.int32),
            pltpu.SemaphoreType.DMA,
            pltpu.SemaphoreType.DMA,
            pltpu.SemaphoreType.DMA,
            pltpu.SemaphoreType.DMA,
        ],
    )
    return fn(tab, idx)


def _pack_bf16(a):
    n, c = a.shape
    bf = a.astype(jnp.bfloat16)
    pair = jnp.stack([bf[:, :c // 2], bf[:, c // 2:]], axis=-1)
    return lax.bitcast_convert_type(pair, jnp.int32)


def _unpack_halves(w):
    lo = lax.bitcast_convert_type(w << 16, jnp.float32)
    hi = lax.bitcast_convert_type(
        w & jnp.int32(np.int32(np.uint32(0xFFFF0000))), jnp.float32)
    return lo, hi



def _msg_block(has_mu, base_ref, d_ref, m_ref, dx_ref, dy_ref, dz_ref,
               dst_ref, gath_ref, W_ref, b_ref, W2_ref, b2_ref, out_ref):
    t = pl.program_id(0)

    @pl.when(t == 0)
    def _():
        out_ref[:, :] = jnp.zeros_like(out_ref)

    d = d_ref[:][:, None]
    width = CUTOFF / (NRBF - 1)
    off = lax.broadcasted_iota(jnp.int32, (1, _NRBF_PAD), 1).astype(
        jnp.float32) * width
    phi = jnp.exp(-0.5 * ((d - off) / width) ** 2)
    fcut = 0.5 * (jnp.cos(d * (np.pi / CUTOFF)) + 1.0) * (d < CUTOFF)
    filt = jnp.dot(phi, W_ref[:, :], preferred_element_type=jnp.float32)
    filt = (filt + b_ref[:][None, :]) * fcut * m_ref[:][:, None]

    if has_mu:
        lo, hi = _unpack_halves(gath_ref[:, :])
        s = lo[:, :NB]
    else:
        s = lax.bitcast_convert_type(gath_ref[:, :], jnp.float32)
    x = jnp.dot(s, W2_ref[:, :],
                preferred_element_type=jnp.float32) + b2_ref[:][None, :]
    xf = filt * x
    f1 = xf[:, :NB]
    f2 = xf[:, NB:2 * NB]
    f3 = xf[:, 2 * NB:3 * NB]
    dmux = f2 * dx_ref[:][:, None]
    dmuy = f2 * dy_ref[:][:, None]
    dmuz = f2 * dz_ref[:][:, None]
    if has_mu:
        dmux = dmux + f3 * lo[:, NB:2 * NB]
        dmuy = dmuy + f3 * hi[:, :NB]
        dmuz = dmuz + f3 * hi[:, NB:2 * NB]
    contrib = jnp.concatenate([f1, dmux, dmuy, dmuz], axis=1)

    base = pl.multiple_of(base_ref[t], 8)
    rel = dst_ref[:] - base
    oh = (lax.broadcasted_iota(jnp.int32, (_W, _T), 0)
          == rel[None, :]).astype(jnp.float32)
    upd = jnp.dot(oh, contrib, preferred_element_type=jnp.float32)
    out_ref[pl.ds(base, _W), :] += upd


def _msg_pallas(has_mu, node_base, d, m, dx, dy, dz, dst, gath, W_slice,
                b_slice, W2, b2):
    ncols = gath.shape[1]
    return pl.pallas_call(
        functools.partial(_msg_block, has_mu),
        grid=(_NTILES,),
        in_specs=[
            pl.BlockSpec(memory_space=pltpu.SMEM),
            pl.BlockSpec((_T,), lambda i: (i,)),
            pl.BlockSpec((_T,), lambda i: (i,)),
            pl.BlockSpec((_T,), lambda i: (i,)),
            pl.BlockSpec((_T,), lambda i: (i,)),
            pl.BlockSpec((_T,), lambda i: (i,)),
            pl.BlockSpec((_T,), lambda i: (i,)),
            pl.BlockSpec((_T, ncols), lambda i: (i, 0)),
            pl.BlockSpec((_NRBF_PAD, 3 * NB), lambda i: (0, 0)),
            pl.BlockSpec((3 * NB,), lambda i: (0,)),
            pl.BlockSpec((NB, 3 * NB), lambda i: (0, 0)),
            pl.BlockSpec((3 * NB,), lambda i: (0,)),
        ],
        out_specs=pl.BlockSpec((_NPAD, 4 * NB), lambda i: (0, 0)),
        out_shape=jax.ShapeDtypeStruct((_NPAD, 4 * NB), jnp.float32),
    )(node_base, d, m, dx, dy, dz, dst, gath, W_slice, b_slice, W2, b2)



def kernel(z, pos, emb, filter_W, filter_b, inter_W1, inter_b1, inter_W2,
           inter_b2, mix_W1, mix_b1, mix_W2, mix_b2, mu_mix_W):
    d2n = jnp.sum(pos * pos, axis=1)
    D2 = d2n[:, None] + d2n[None, :] - 2.0 * (pos @ pos.T)
    ar = jnp.arange(N)
    mask = (D2 < CUTOFF ** 2) & (ar[:, None] != ar[None, :])
    idx_i, idx_j = jnp.nonzero(mask, size=E_MAX, fill_value=0)
    edge_mask = jnp.arange(E_MAX) < jnp.sum(mask)
    m_f = edge_mask.astype(jnp.float32)

    r_ij = pos[idx_j] - pos[idx_i]
    r_ij = jnp.where(jnp.abs(r_ij) <= 1e-06, 1e-06, r_ij)
    d_ij = jnp.sqrt(jnp.sum(r_ij * r_ij, axis=1))
    dir_ij = r_ij / d_ij[:, None]
    dx, dy, dz = dir_ij[:, 0], dir_ij[:, 1], dir_ij[:, 2]

    dst = idx_i.astype(jnp.int32)
    src = idx_j.astype(jnp.int32)
    node_base = jnp.minimum((dst[::_T] // 8) * 8, _NPAD - _W).astype(jnp.int32)

    W_pad = jnp.zeros((_NRBF_PAD, NI * 3 * NB), jnp.float32)
    W_pad = W_pad.at[:NRBF].set(filter_W)

    q = emb[z]
    mu = jnp.zeros((N, 3 * NB), jnp.float32)
    for i in range(NI):
        s = jax.nn.silu(q @ inter_W1[i] + inter_b1[i])
        if i == 0:
            tab = lax.bitcast_convert_type(s, jnp.int32)
        else:
            tab = _pack_bf16(jnp.concatenate([s, mu], axis=1))
        gath = _sc_gather(tab, src)
        acc = _msg_pallas(i > 0, node_base, d_ij, m_f, dx, dy, dz, dst, gath,
                          W_pad[:, i * 3 * NB:(i + 1) * 3 * NB],
                          filter_b[i * 3 * NB:(i + 1) * 3 * NB],
                          inter_W2[i], inter_b2[i])
        q = q + acc[:N, :NB]
        mu = mu + acc[:N, NB:]
        mu3 = mu.reshape(N, 3, NB)
        mu_mix = mu3 @ mu_mix_W[i]
        mu_V, mu_Wc = jnp.split(mu_mix, 2, axis=-1)
        mu_Vn = jnp.sqrt(jnp.sum(mu_V ** 2, axis=-2) + EPS)
        ctx = jnp.concatenate([q, mu_Vn], axis=-1)
        xm = jax.nn.silu(ctx @ mix_W1[i] + mix_b1[i])
        xm = xm @ mix_W2[i] + mix_b2[i]
        dq_intra = xm[:, :NB]
        dmu_intra = xm[:, None, NB:2 * NB] * mu_Wc
        dqmu_intra = xm[:, 2 * NB:] * jnp.sum(mu_V * mu_Wc, axis=1)
        q = q + dq_intra + dqmu_intra
        mu = (mu3 + dmu_intra).reshape(N, 3 * NB)
    return q, mu.reshape(N, 3, NB)

# --- scband reference (transcript-rebuilt; emitter-appended) ---
"""Pipeline reference for scband-pai-nn-49684181680725 (READ-ONLY COPY).

The authoritative reference and input builder live on the scoring server;
editing this copy changes nothing except your own understanding.
"""

import jax, jax.numpy as jnp
import numpy as np

N = 10000
NB = 128
NI = 3
NRBF = 20
CUTOFF = 5.0
MAXZ = 100
BOX = 54.7
EPS = 1e-08
E_MAX = 524288


def setup_inputs(seed: int = 0) -> dict:
    key = jax.random.key(seed)
    ks = jax.random.split(key, 12)
    pos = jax.random.uniform(ks[0], (N, 3), dtype=jnp.float32) * BOX
    z = jax.random.randint(ks[1], (N,), 0, MAXZ)

    def w(k, shape):
        fan_in = shape[-2] if len(shape) > 1 else shape[-1]
        return jax.random.normal(k, shape, dtype=jnp.float32) / np.sqrt(fan_in)

    emb = jax.random.normal(ks[2], (MAXZ, NB), dtype=jnp.float32) * 0.1
    emb = emb.at[0].set(0.0)  # padding_idx=0
    filter_W = w(ks[3], (NRBF, NI * 3 * NB))
    filter_b = jnp.zeros((NI * 3 * NB,), jnp.float32)
    inter_W1 = w(ks[4], (NI, NB, NB))
    inter_b1 = jnp.zeros((NI, NB), jnp.float32)
    inter_W2 = w(ks[5], (NI, NB, 3 * NB))
    inter_b2 = jnp.zeros((NI, 3 * NB), jnp.float32)
    mix_W1 = w(ks[6], (NI, 2 * NB, NB))
    mix_b1 = jnp.zeros((NI, NB), jnp.float32)
    mix_W2 = w(ks[7], (NI, NB, 3 * NB))
    mix_b2 = jnp.zeros((NI, 3 * NB), jnp.float32)
    mu_mix_W = w(ks[8], (NI, NB, 2 * NB))
    return {"z": z, "pos": pos, "emb": emb, "filter_W": filter_W, "filter_b": filter_b,
            "inter_W1": inter_W1, "inter_b1": inter_b1, "inter_W2": inter_W2, "inter_b2": inter_b2,
            "mix_W1": mix_W1, "mix_b1": mix_b1, "mix_W2": mix_W2, "mix_b2": mix_b2,
            "mu_mix_W": mu_mix_W}


def _radius_graph(pos):
    d2 = jnp.sum(pos * pos, axis=1)
    D2 = d2[:, None] + d2[None, :] - 2.0 * (pos @ pos.T)
    mask = D2 < CUTOFF ** 2
    ar = jnp.arange(N)
    mask = mask.at[ar, ar].set(False)
    src, dst = jnp.nonzero(mask, size=E_MAX, fill_value=0)
    edge_mask = jnp.arange(E_MAX) < jnp.sum(mask)
    # torch_geometric radius_graph: edge_idx[0]=neighbor j, edge_idx[1]=center i
    idx_j, idx_i = src, dst
    return idx_i, idx_j, edge_mask


def _painn_core(z, pos, idx_i, idx_j, edge_mask, emb, filter_W, filter_b,
                inter_W1, inter_b1, inter_W2, inter_b2,
                mix_W1, mix_b1, mix_W2, mix_b2, mu_mix_W):
    r_ij = pos[idx_j] - pos[idx_i]
    r_ij = jnp.where(jnp.abs(r_ij) <= 1e-06, 1e-06, r_ij)
    d_ij = jnp.linalg.norm(r_ij, axis=1, keepdims=True)  # [E,1]
    dir_ij = r_ij / d_ij  # [E,3]
    # GaussianRBF radial basis
    offsets = jnp.linspace(0.0, CUTOFF, NRBF)
    width = offsets[1] - offsets[0]
    phi_ij = jnp.exp(-0.5 * ((d_ij[..., None] - offsets) / width) ** 2)  # [E,1,NRBF]
    # CosineCutoff
    fcut = 0.5 * (jnp.cos(d_ij * np.pi / CUTOFF) + 1.0) * (d_ij < CUTOFF)  # [E,1]
    filters = (phi_ij @ filter_W + filter_b) * fcut[..., None]  # [E,1,NI*3NB]
    filters = filters * edge_mask[:, None, None]
    filter_list = jnp.split(filters, NI, axis=-1)
    q = emb[z][:, None, :]  # [N,1,NB]
    mu = jnp.zeros((N, 3, NB), jnp.float32)
    for i in range(NI):
        # ---- PaiNNInteraction ----
        x = jax.nn.silu(q @ inter_W1[i] + inter_b1[i])
        x = x @ inter_W2[i] + inter_b2[i]  # [N,1,3NB]
        xj = x[idx_j]
        muj = mu[idx_j]
        xf = filter_list[i] * xj  # [E,1,3NB]
        dq, dmuR, dmumu = jnp.split(xf, 3, axis=-1)
        dq = jnp.zeros((N, 1, NB), jnp.float32).at[idx_i].add(dq)
        dmu = dmuR * dir_ij[:, :, None] + dmumu * muj  # [E,3,NB]
        dmu = jnp.zeros((N, 3, NB), jnp.float32).at[idx_i].add(dmu)
        q = q + dq
        mu = mu + dmu
        # ---- PaiNNMixing ----
        mu_mix = mu @ mu_mix_W[i]  # [N,3,2NB]
        mu_V, mu_Wc = jnp.split(mu_mix, 2, axis=-1)
        mu_Vn = jnp.sqrt(jnp.sum(mu_V ** 2, axis=-2, keepdims=True) + EPS)  # [N,1,NB]
        ctx = jnp.concatenate([q, mu_Vn], axis=-1)  # [N,1,2NB]
        xm = jax.nn.silu(ctx @ mix_W1[i] + mix_b1[i])
        xm = xm @ mix_W2[i] + mix_b2[i]  # [N,1,3NB]
        dq_intra, dmu_intra, dqmu_intra = jnp.split(xm, 3, axis=-1)
        dmu_intra = dmu_intra * mu_Wc
        dqmu_intra = dqmu_intra * jnp.sum(mu_V * mu_Wc, axis=1, keepdims=True)
        q = q + dq_intra + dqmu_intra
        mu = mu + dmu_intra
    return q[:, 0, :], mu


def reference(z, pos, emb, filter_W, filter_b, inter_W1, inter_b1, inter_W2, inter_b2,
              mix_W1, mix_b1, mix_W2, mix_b2, mu_mix_W):
    idx_i, idx_j, edge_mask = _radius_graph(pos)
    return _painn_core(z, pos, idx_i, idx_j, edge_mask, emb, filter_W, filter_b,
                       inter_W1, inter_b1, inter_W2, inter_b2,
                       mix_W1, mix_b1, mix_W2, mix_b2, mu_mix_W)

if __name__ == "__main__":
    import jax
    _d = setup_inputs()
    print(jax.jit(kernel)(*tuple(_d.values())))

</pallas_src>

<mosaic_0001>
#map = affine_map<(d0, d1) -> (0, 0)>
#map1 = affine_map<(d0, d1) -> (0)>
module attributes {stable_mosaic.version = 14 : i64} {
  func.func @_sc_gather_body(%arg0: i32, %arg1: i32, %arg2: memref<10000x128xi32, #tpu.memory_space<hbm>>, %arg3: memref<524288xi32, #tpu.memory_space<hbm>>, %arg4: memref<524288x128xi32, #tpu.memory_space<hbm>>, %arg5: memref<16384xi32, #tpu.memory_space<vmem>>, %arg6: memref<64x128xi32, #tpu.memory_space<vmem>>, %arg7: memref<64x128xi32, #tpu.memory_space<vmem>>, %arg8: memref<!tpu.dma_semaphore, #tpu.memory_space<semaphore_mem>>, %arg9: memref<!tpu.dma_semaphore, #tpu.memory_space<semaphore_mem>>, %arg10: memref<!tpu.dma_semaphore, #tpu.memory_space<semaphore_mem>>, %arg11: memref<!tpu.dma_semaphore, #tpu.memory_space<semaphore_mem>>) attributes {dimension_semantics = [#tpu.dimension_semantics<core_parallel>, #tpu.dimension_semantics<subcore_parallel>], iteration_bounds = array<i64: 2, 16>, scalar_prefetch = 0 : i64, scratch_operands = 7 : i64, tpu.core_type = #tpu.core_type<sc_vector_subcore>, window_params = [{transform_indices = #map}, {transform_indices = #map1}, {transform_indices = #map}]} {
    %mul3A = arith.constant 2 : i32
    %mul3A_0 = arith.muli %arg1, %mul3A : i32
    %add3A = arith.addi %mul3A_0, %arg0 : i32
    %mul3A_1 = arith.constant 16384 : i32
    %mul3A_2 = arith.muli %add3A, %mul3A_1 : i32
    "tpu.region"() ({
      %run_scoped3A = tpu.sem_alloc : memref<!tpu.dma_semaphore, #tpu.memory_space<semaphore_mem>>
      %dma_start3A_12 = tpu.memref_slice %arg3[%mul3A_2] : memref<524288xi32, #tpu.memory_space<hbm>> -> memref<16384xi32, #tpu.memory_space<hbm>>
      %dma_start3A_13 = tpu.memref_slice %arg3[%mul3A_2] : memref<524288xi32, #tpu.memory_space<hbm>> -> memref<16384xi32, #tpu.memory_space<hbm>>
      tpu.enqueue_dma source(%dma_start3A_13 : memref<16384xi32, #tpu.memory_space<hbm>>) target(%arg5 : memref<16384xi32, #tpu.memory_space<vmem>>) target_semaphore(%run_scoped3A : memref<!tpu.dma_semaphore, #tpu.memory_space<semaphore_mem>>)
      %dma_wait3A = tpu.memref_slice %arg3[%mul3A_2] : memref<524288xi32, #tpu.memory_space<hbm>> -> memref<16384xi32, #tpu.memory_space<hbm>>
      %dma_wait3A_14 = tpu.memref_slice %arg3[%mul3A_2] : memref<524288xi32, #tpu.memory_space<hbm>> -> memref<16384xi32, #tpu.memory_space<hbm>>
      tpu.wait_dma2 semaphore(%run_scoped3A : memref<!tpu.dma_semaphore, #tpu.memory_space<semaphore_mem>>) src(%dma_wait3A_14 : memref<16384xi32, #tpu.memory_space<hbm>>) dst(%arg5 : memref<16384xi32, #tpu.memory_space<vmem>>)
      tpu.yield
    }) : () -> ()
    %dma_start3A = arith.constant 0 : i32
    %dma_start3A_3 = tpu.memref_slice %arg5[%dma_start3A] : memref<16384xi32, #tpu.memory_space<vmem>> -> memref<64xi32, #tpu.memory_space<vmem>>
    %dma_start3A_4 = arith.constant 0 : i32
    %dma_start3A_5 = arith.constant 0 : i32
    %dma_start3A_6 = tpu.memref_slice %arg2[%dma_start3A_4, %dma_start3A_5] : memref<10000x128xi32, #tpu.memory_space<hbm>> -> memref<10000x128xi32, #tpu.memory_space<hbm>>
    tpu.enqueue_indirect_dma source(%dma_start3A_6 : memref<10000x128xi32, #tpu.memory_space<hbm>>) target(%arg6 : memref<64x128xi32, #tpu.memory_space<vmem>>) offsets(%dma_start3A_3 : memref<64xi32, #tpu.memory_space<vmem>>) semaphore(%arg8 : memref<!tpu.dma_semaphore, #tpu.memory_space<semaphore_mem>>)
    %scan3A = arith.constant 0 : i32
    %scan3A_7 = arith.constant 0 : i32
    %scan3A_8 = arith.constant 128 : i32
    %scan3A_9 = arith.addi %scan3A_7, %scan3A_8 : i32
    %scan3A_10 = arith.constant 1 : i32
    scf.for %scan3A_12 = %scan3A_7 to %scan3A_9 step %scan3A_10  : i32 {
      %mul3A_13 = arith.constant 2 : i32
      %mul3A_14 = arith.muli %mul3A_13, %scan3A_12 : i32
      %dma_wait3A = arith.constant 0 : i32
      %dma_wait3A_15 = arith.constant 0 : i32
      %dma_wait3A_16 = tpu.memref_slice %arg4[%dma_wait3A, %dma_wait3A_15] : memref<524288x128xi32, #tpu.memory_space<hbm>> -> memref<64x128xi32, #tpu.memory_space<hbm>>
      %dma_wait3A_17 = arith.constant 0 : i32
      %dma_wait3A_18 = arith.constant 0 : i32
      %dma_wait3A_19 = tpu.memref_slice %arg4[%dma_wait3A_17, %dma_wait3A_18] : memref<524288x128xi32, #tpu.memory_space<hbm>> -> memref<64x128xi32, #tpu.memory_space<hbm>>
      tpu.wait_dma2 semaphore(%arg8 : memref<!tpu.dma_semaphore, #tpu.memory_space<semaphore_mem>>) src(%dma_wait3A_19 : memref<64x128xi32, #tpu.memory_space<hbm>>) dst(%arg6 : memref<64x128xi32, #tpu.memory_space<vmem>>)
      %add3A_20 = arith.constant 1 : i32
      %add3A_21 = arith.addi %mul3A_14, %add3A_20 : i32
      %mul3A_22 = arith.constant 64 : i32
      %mul3A_23 = arith.muli %add3A_21, %mul3A_22 : i32
      %dma_start3A_24 = tpu.memref_slice %arg5[%mul3A_23] : memref<16384xi32, #tpu.memory_space<vmem>> -> memref<64xi32, #tpu.memory_space<vmem>>
      %dma_start3A_25 = arith.constant 0 : i32
      %dma_start3A_26 = arith.constant 0 : i32
      %dma_start3A_27 = tpu.memref_slice %arg2[%dma_start3A_25, %dma_start3A_26] : memref<10000x128xi32, #tpu.memory_space<hbm>> -> memref<10000x128xi32, #tpu.memory_space<hbm>>
      tpu.enqueue_indirect_dma source(%dma_start3A_27 : memref<10000x128xi32, #tpu.memory_space<hbm>>) target(%arg7 : memref<64x128xi32, #tpu.memory_space<vmem>>) offsets(%dma_start3A_24 : memref<64xi32, #tpu.memory_space<vmem>>) semaphore(%arg9 : memref<!tpu.dma_semaphore, #tpu.memory_space<semaphore_mem>>)
      %mul3A_28 = arith.constant 64 : i32
      %mul3A_29 = arith.muli %mul3A_14, %mul3A_28 : i32
      %add3A_30 = arith.addi %mul3A_2, %mul3A_29 : i32
      %dma_start3A_31 = arith.constant 0 : i32
      %dma_start3A_32 = tpu.memref_slice %arg4[%add3A_30, %dma_start3A_31] : memref<524288x128xi32, #tpu.memory_space<hbm>> -> memref<64x128xi32, #tpu.memory_space<hbm>>
      %dma_start3A_33 = arith.constant 0 : i32
      %dma_start3A_34 = tpu.memref_slice %arg4[%add3A_30, %dma_start3A_33] : memref<524288x128xi32, #tpu.memory_space<hbm>> -> memref<64x128xi32, #tpu.memory_space<hbm>>
      tpu.enqueue_dma source(%arg6 : memref<64x128xi32, #tpu.memory_space<vmem>>) target(%dma_start3A_34 : memref<64x128xi32, #tpu.memory_space<hbm>>) target_semaphore(%arg10 : memref<!tpu.dma_semaphore, #tpu.memory_space<semaphore_mem>>)
      %dma_wait3A_35 = arith.constant 0 : i32
      %dma_wait3A_36 = arith.constant 0 : i32
      %dma_wait3A_37 = tpu.memref_slice %arg4[%dma_wait3A_35, %dma_wait3A_36] : memref<524288x128xi32, #tpu.memory_space<hbm>> -> memref<64x128xi32, #tpu.memory_space<hbm>>
      %dma_wait3A_38 = arith.constant 0 : i32
      %dma_wait3A_39 = arith.constant 0 : i32
      %dma_wait3A_40 = tpu.memref_slice %arg4[%dma_wait3A_38, %dma_wait3A_39] : memref<524288x128xi32, #tpu.memory_space<hbm>> -> memref<64x128xi32, #tpu.memory_space<hbm>>
      tpu.wait_dma2 semaphore(%arg10 : memref<!tpu.dma_semaphore, #tpu.memory_space<semaphore_mem>>) src(%dma_wait3A_40 : memref<64x128xi32, #tpu.memory_space<hbm>>) dst(%arg6 : memref<64x128xi32, #tpu.memory_space<vmem>>)
      %lt3A = arith.constant 127 : i32
      %lt3A_41 = arith.cmpi slt, %scan3A_12, %lt3A : i32
      %convert_element_type3A = arith.extui %lt3A_41 : i1 to i32
      %cond3A = arith.constant 0 : i32
      %cond3A_42 = arith.cmpi ne, %convert_element_type3A, %cond3A : i32
      scf.if %cond3A_42 {
        %add3A_64 = arith.constant 2 : i32
        %add3A_65 = arith.addi %mul3A_14, %add3A_64 : i32
        %mul3A_66 = arith.constant 64 : i32
        %mul3A_67 = arith.muli %add3A_65, %mul3A_66 : i32
        %dma_start3A_68 = tpu.memref_slice %arg5[%mul3A_67] : memref<16384xi32, #tpu.memory_space<vmem>> -> memref<64xi32, #tpu.memory_space<vmem>>
        %dma_start3A_69 = arith.constant 0 : i32
        %dma_start3A_70 = arith.constant 0 : i32
        %dma_start3A_71 = tpu.memref_slice %arg2[%dma_start3A_69, %dma_start3A_70] : memref<10000x128xi32, #tpu.memory_space<hbm>> -> memref<10000x128xi32, #tpu.memory_space<hbm>>
        tpu.enqueue_indirect_dma source(%dma_start3A_71 : memref<10000x128xi32, #tpu.memory_space<hbm>>) target(%arg6 : memref<64x128xi32, #tpu.memory_space<vmem>>) offsets(%dma_start3A_68 : memref<64xi32, #tpu.memory_space<vmem>>) semaphore(%arg8 : memref<!tpu.dma_semaphore, #tpu.memory_space<semaphore_mem>>)
      } else {
      }
      %dma_wait3A_43 = arith.constant 0 : i32
      %dma_wait3A_44 = arith.constant 0 : i32
      %dma_wait3A_45 = tpu.memref_slice %arg4[%dma_wait3A_43, %dma_wait3A_44] : memref<524288x128xi32, #tpu.memory_space<hbm>> -> memref<64x128xi32, #tpu.memory_space<hbm>>
      %dma_wait3A_46 = arith.constant 0 : i32
      %dma_wait3A_47 = arith.constant 0 : i32
      %dma_wait3A_48 = tpu.memref_slice %arg4[%dma_wait3A_46, %dma_wait3A_47] : memref<524288x128xi32, #tpu.memory_space<hbm>> -> memref<64x128xi32, #tpu.memory_space<hbm>>
      tpu.wait_dma2 semaphore(%arg9 : memref<!tpu.dma_semaphore, #tpu.memory_space<semaphore_mem>>) src(%dma_wait3A_48 : memref<64x128xi32, #tpu.memory_space<hbm>>) dst(%arg7 : memref<64x128xi32, #tpu.memory_space<vmem>>)
      %add3A_49 = arith.constant 1 : i32
      %add3A_50 = arith.addi %mul3A_14, %add3A_49 : i32
      %mul3A_51 = arith.constant 64 : i32
      %mul3A_52 = arith.muli %add3A_50, %mul3A_51 : i32
      %add3A_53 = arith.addi %mul3A_2, %mul3A_52 : i32
      %dma_start3A_54 = arith.constant 0 : i32
      %dma_start3A_55 = tpu.memref_slice %arg4[%add3A_53, %dma_start3A_54] : memref<524288x128xi32, #tpu.memory_space<hbm>> -> memref<64x128xi32, #tpu.memory_space<hbm>>
      %dma_start3A_56 = arith.constant 0 : i32
      %dma_start3A_57 = tpu.memref_slice %arg4[%add3A_53, %dma_start3A_56] : memref<524288x128xi32, #tpu.memory_space<hbm>> -> memref<64x128xi32, #tpu.memory_space<hbm>>
      tpu.enqueue_dma source(%arg7 : memref<64x128xi32, #tpu.memory_space<vmem>>) target(%dma_start3A_57 : memref<64x128xi32, #tpu.memory_space<hbm>>) target_semaphore(%arg11 : memref<!tpu.dma_semaphore, #tpu.memory_space<semaphore_mem>>)
      %dma_wait3A_58 = arith.constant 0 : i32
      %dma_wait3A_59 = arith.constant 0 : i32
      %dma_wait3A_60 = tpu.memref_slice %arg4[%dma_wait3A_58, %dma_wait3A_59] : memref<524288x128xi32, #tpu.memory_space<hbm>> -> memref<64x128xi32, #tpu.memory_space<hbm>>
      %dma_wait3A_61 = arith.constant 0 : i32
      %dma_wait3A_62 = arith.constant 0 : i32
      %dma_wait3A_63 = tpu.memref_slice %arg4[%dma_wait3A_61, %dma_wait3A_62] : memref<524288x128xi32, #tpu.memory_space<hbm>> -> memref<64x128xi32, #tpu.memory_space<hbm>>
      tpu.wait_dma2 semaphore(%arg11 : memref<!tpu.dma_semaphore, #tpu.memory_space<semaphore_mem>>) src(%dma_wait3A_63 : memref<64x128xi32, #tpu.memory_space<hbm>>) dst(%arg7 : memref<64x128xi32, #tpu.memory_space<vmem>>)
    }
    %scan3A_11 = arith.constant 128 : i32
    return
  }
}

#map = affine_map<(d0, d1) -> (0, 0)>
#map1 = affine_map<(d0, d1) -> (0)>
module attributes {stable_mosaic.version = 14 : i64} {
  func.func @_sc_gather_body(%arg0: i32, %arg1: i32, %arg2: memref<10000x256xi32, #tpu.memory_space<hbm>>, %arg3: memref<524288xi32, #tpu.memory_space<hbm>>, %arg4: memref<524288x256xi32, #tpu.memory_space<hbm>>, %arg5: memref<16384xi32, #tpu.memory_space<vmem>>, %arg6: memref<64x256xi32, #tpu.memory_space<vmem>>, %arg7: memref<64x256xi32, #tpu.memory_space<vmem>>, %arg8: memref<!tpu.dma_semaphore, #tpu.memory_space<semaphore_mem>>, %arg9: memref<!tpu.dma_semaphore, #tpu.memory_space<semaphore_mem>>, %arg10: memref<!tpu.dma_semaphore, #tpu.memory_space<semaphore_mem>>, %arg11: memref<!tpu.dma_semaphore, #tpu.memory_space<semaphore_mem>>) attributes {dimension_semantics = [#tpu.dimension_semantics<core_parallel>, #tpu.dimension_semantics<subcore_parallel>], iteration_bounds = array<i64: 2, 16>, scalar_prefetch = 0 : i64, scratch_operands = 7 : i64, tpu.core_type = #tpu.core_type<sc_vector_subcore>, window_params = [{transform_indices = #map}, {transform_indices = #map1}, {transform_indices = #map}]} {
    %mul3A = arith.constant 2 : i32
    %mul3A_0 = arith.muli %arg1, %mul3A : i32
    %add3A = arith.addi %mul3A_0, %arg0 : i32
    %mul3A_1 = arith.constant 16384 : i32
    %mul3A_2 = arith.muli %add3A, %mul3A_1 : i32
    "tpu.region"() ({
      %run_scoped3A = tpu.sem_alloc : memref<!tpu.dma_semaphore, #tpu.memory_space<semaphore_mem>>
      %dma_start3A_12 = tpu.memref_slice %arg3[%mul3A_2] : memref<524288xi32, #tpu.memory_space<hbm>> -> memref<16384xi32, #tpu.memory_space<hbm>>
      %dma_start3A_13 = tpu.memref_slice %arg3[%mul3A_2] : memref<524288xi32, #tpu.memory_space<hbm>> -> memref<16384xi32, #tpu.memory_space<hbm>>
      tpu.enqueue_dma source(%dma_start3A_13 : memref<16384xi32, #tpu.memory_space<hbm>>) target(%arg5 : memref<16384xi32, #tpu.memory_space<vmem>>) target_semaphore(%run_scoped3A : memref<!tpu.dma_semaphore, #tpu.memory_space<semaphore_mem>>)
      %dma_wait3A = tpu.memref_slice %arg3[%mul3A_2] : memref<524288xi32, #tpu.memory_space<hbm>> -> memref<16384xi32, #tpu.memory_space<hbm>>
      %dma_wait3A_14 = tpu.memref_slice %arg3[%mul3A_2] : memref<524288xi32, #tpu.memory_space<hbm>> -> memref<16384xi32, #tpu.memory_space<hbm>>
      tpu.wait_dma2 semaphore(%run_scoped3A : memref<!tpu.dma_semaphore, #tpu.memory_space<semaphore_mem>>) src(%dma_wait3A_14 : memref<16384xi32, #tpu.memory_space<hbm>>) dst(%arg5 : memref<16384xi32, #tpu.memory_space<vmem>>)
      tpu.yield
    }) : () -> ()
    %dma_start3A = arith.constant 0 : i32
    %dma_start3A_3 = tpu.memref_slice %arg5[%dma_start3A] : memref<16384xi32, #tpu.memory_space<vmem>> -> memref<64xi32, #tpu.memory_space<vmem>>
    %dma_start3A_4 = arith.constant 0 : i32
    %dma_start3A_5 = arith.constant 0 : i32
    %dma_start3A_6 = tpu.memref_slice %arg2[%dma_start3A_4, %dma_start3A_5] : memref<10000x256xi32, #tpu.memory_space<hbm>> -> memref<10000x256xi32, #tpu.memory_space<hbm>>
    tpu.enqueue_indirect_dma source(%dma_start3A_6 : memref<10000x256xi32, #tpu.memory_space<hbm>>) target(%arg6 : memref<64x256xi32, #tpu.memory_space<vmem>>) offsets(%dma_start3A_3 : memref<64xi32, #tpu.memory_space<vmem>>) semaphore(%arg8 : memref<!tpu.dma_semaphore, #tpu.memory_space<semaphore_mem>>)
    %scan3A = arith.constant 0 : i32
    %scan3A_7 = arith.constant 0 : i32
    %scan3A_8 = arith.constant 128 : i32
    %scan3A_9 = arith.addi %scan3A_7, %scan3A_8 : i32
    %scan3A_10 = arith.constant 1 : i32
    scf.for %scan3A_12 = %scan3A_7 to %scan3A_9 step %scan3A_10  : i32 {
      %mul3A_13 = arith.constant 2 : i32
      %mul3A_14 = arith.muli %mul3A_13, %scan3A_12 : i32
      %dma_wait3A = arith.constant 0 : i32
      %dma_wait3A_15 = arith.constant 0 : i32
      %dma_wait3A_16 = tpu.memref_slice %arg4[%dma_wait3A, %dma_wait3A_15] : memref<524288x256xi32, #tpu.memory_space<hbm>> -> memref<64x256xi32, #tpu.memory_space<hbm>>
      %dma_wait3A_17 = arith.constant 0 : i32
      %dma_wait3A_18 = arith.constant 0 : i32
      %dma_wait3A_19 = tpu.memref_slice %arg4[%dma_wait3A_17, %dma_wait3A_18] : memref<524288x256xi32, #tpu.memory_space<hbm>> -> memref<64x256xi32, #tpu.memory_space<hbm>>
      tpu.wait_dma2 semaphore(%arg8 : memref<!tpu.dma_semaphore, #tpu.memory_space<semaphore_mem>>) src(%dma_wait3A_19 : memref<64x256xi32, #tpu.memory_space<hbm>>) dst(%arg6 : memref<64x256xi32, #tpu.memory_space<vmem>>)
      %add3A_20 = arith.constant 1 : i32
      %add3A_21 = arith.addi %mul3A_14, %add3A_20 : i32
      %mul3A_22 = arith.constant 64 : i32
      %mul3A_23 = arith.muli %add3A_21, %mul3A_22 : i32
      %dma_start3A_24 = tpu.memref_slice %arg5[%mul3A_23] : memref<16384xi32, #tpu.memory_space<vmem>> -> memref<64xi32, #tpu.memory_space<vmem>>
      %dma_start3A_25 = arith.constant 0 : i32
      %dma_start3A_26 = arith.constant 0 : i32
      %dma_start3A_27 = tpu.memref_slice %arg2[%dma_start3A_25, %dma_start3A_26] : memref<10000x256xi32, #tpu.memory_space<hbm>> -> memref<10000x256xi32, #tpu.memory_space<hbm>>
      tpu.enqueue_indirect_dma source(%dma_start3A_27 : memref<10000x256xi32, #tpu.memory_space<hbm>>) target(%arg7 : memref<64x256xi32, #tpu.memory_space<vmem>>) offsets(%dma_start3A_24 : memref<64xi32, #tpu.memory_space<vmem>>) semaphore(%arg9 : memref<!tpu.dma_semaphore, #tpu.memory_space<semaphore_mem>>)
      %mul3A_28 = arith.constant 64 : i32
      %mul3A_29 = arith.muli %mul3A_14, %mul3A_28 : i32
      %add3A_30 = arith.addi %mul3A_2, %mul3A_29 : i32
      %dma_start3A_31 = arith.constant 0 : i32
      %dma_start3A_32 = tpu.memref_slice %arg4[%add3A_30, %dma_start3A_31] : memref<524288x256xi32, #tpu.memory_space<hbm>> -> memref<64x256xi32, #tpu.memory_space<hbm>>
      %dma_start3A_33 = arith.constant 0 : i32
      %dma_start3A_34 = tpu.memref_slice %arg4[%add3A_30, %dma_start3A_33] : memref<524288x256xi32, #tpu.memory_space<hbm>> -> memref<64x256xi32, #tpu.memory_space<hbm>>
      tpu.enqueue_dma source(%arg6 : memref<64x256xi32, #tpu.memory_space<vmem>>) target(%dma_start3A_34 : memref<64x256xi32, #tpu.memory_space<hbm>>) target_semaphore(%arg10 : memref<!tpu.dma_semaphore, #tpu.memory_space<semaphore_mem>>)
      %dma_wait3A_35 = arith.constant 0 : i32
      %dma_wait3A_36 = arith.constant 0 : i32
      %dma_wait3A_37 = tpu.memref_slice %arg4[%dma_wait3A_35, %dma_wait3A_36] : memref<524288x256xi32, #tpu.memory_space<hbm>> -> memref<64x256xi32, #tpu.memory_space<hbm>>
      %dma_wait3A_38 = arith.constant 0 : i32
      %dma_wait3A_39 = arith.constant 0 : i32
      %dma_wait3A_40 = tpu.memref_slice %arg4[%dma_wait3A_38, %dma_wait3A_39] : memref<524288x256xi32, #tpu.memory_space<hbm>> -> memref<64x256xi32, #tpu.memory_space<hbm>>
      tpu.wait_dma2 semaphore(%arg10 : memref<!tpu.dma_semaphore, #tpu.memory_space<semaphore_mem>>) src(%dma_wait3A_40 : memref<64x256xi32, #tpu.memory_space<hbm>>) dst(%arg6 : memref<64x256xi32, #tpu.memory_space<vmem>>)
      %lt3A = arith.constant 127 : i32
      %lt3A_41 = arith.cmpi slt, %scan3A_12, %lt3A : i32
      %convert_element_type3A = arith.extui %lt3A_41 : i1 to i32
      %cond3A = arith.constant 0 : i32
      %cond3A_42 = arith.cmpi ne, %convert_element_type3A, %cond3A : i32
      scf.if %cond3A_42 {
        %add3A_64 = arith.constant 2 : i32
        %add3A_65 = arith.addi %mul3A_14, %add3A_64 : i32
        %mul3A_66 = arith.constant 64 : i32
        %mul3A_67 = arith.muli %add3A_65, %mul3A_66 : i32
        %dma_start3A_68 = tpu.memref_slice %arg5[%mul3A_67] : memref<16384xi32, #tpu.memory_space<vmem>> -> memref<64xi32, #tpu.memory_space<vmem>>
        %dma_start3A_69 = arith.constant 0 : i32
        %dma_start3A_70 = arith.constant 0 : i32
        %dma_start3A_71 = tpu.memref_slice %arg2[%dma_start3A_69, %dma_start3A_70] : memref<10000x256xi32, #tpu.memory_space<hbm>> -> memref<10000x256xi32, #tpu.memory_space<hbm>>
        tpu.enqueue_indirect_dma source(%dma_start3A_71 : memref<10000x256xi32, #tpu.memory_space<hbm>>) target(%arg6 : memref<64x256xi32, #tpu.memory_space<vmem>>) offsets(%dma_start3A_68 : memref<64xi32, #tpu.memory_space<vmem>>) semaphore(%arg8 : memref<!tpu.dma_semaphore, #tpu.memory_space<semaphore_mem>>)
      } else {
      }
      %dma_wait3A_43 = arith.constant 0 : i32
      %dma_wait3A_44 = arith.constant 0 : i32
      %dma_wait3A_45 = tpu.memref_slice %arg4[%dma_wait3A_43, %dma_wait3A_44] : memref<524288x256xi32, #tpu.memory_space<hbm>> -> memref<64x256xi32, #tpu.memory_space<hbm>>
      %dma_wait3A_46 = arith.constant 0 : i32
      %dma_wait3A_47 = arith.constant 0 : i32
      %dma_wait3A_48 = tpu.memref_slice %arg4[%dma_wait3A_46, %dma_wait3A_47] : memref<524288x256xi32, #tpu.memory_space<hbm>> -> memref<64x256xi32, #tpu.memory_space<hbm>>
      tpu.wait_dma2 semaphore(%arg9 : memref<!tpu.dma_semaphore, #tpu.memory_space<semaphore_mem>>) src(%dma_wait3A_48 : memref<64x256xi32, #tpu.memory_space<hbm>>) dst(%arg7 : memref<64x256xi32, #tpu.memory_space<vmem>>)
      %add3A_49 = arith.constant 1 : i32
      %add3A_50 = arith.addi %mul3A_14, %add3A_49 : i32
      %mul3A_51 = arith.constant 64 : i32
      %mul3A_52 = arith.muli %add3A_50, %mul3A_51 : i32
      %add3A_53 = arith.addi %mul3A_2, %mul3A_52 : i32
      %dma_start3A_54 = arith.constant 0 : i32
      %dma_start3A_55 = tpu.memref_slice %arg4[%add3A_53, %dma_start3A_54] : memref<524288x256xi32, #tpu.memory_space<hbm>> -> memref<64x256xi32, #tpu.memory_space<hbm>>
      %dma_start3A_56 = arith.constant 0 : i32
      %dma_start3A_57 = tpu.memref_slice %arg4[%add3A_53, %dma_start3A_56] : memref<524288x256xi32, #tpu.memory_space<hbm>> -> memref<64x256xi32, #tpu.memory_space<hbm>>
      tpu.enqueue_dma source(%arg7 : memref<64x256xi32, #tpu.memory_space<vmem>>) target(%dma_start3A_57 : memref<64x256xi32, #tpu.memory_space<hbm>>) target_semaphore(%arg11 : memref<!tpu.dma_semaphore, #tpu.memory_space<semaphore_mem>>)
      %dma_wait3A_58 = arith.constant 0 : i32
      %dma_wait3A_59 = arith.constant 0 : i32
      %dma_wait3A_60 = tpu.memref_slice %arg4[%dma_wait3A_58, %dma_wait3A_59] : memref<524288x256xi32, #tpu.memory_space<hbm>> -> memref<64x256xi32, #tpu.memory_space<hbm>>
      %dma_wait3A_61 = arith.constant 0 : i32
      %dma_wait3A_62 = arith.constant 0 : i32
      %dma_wait3A_63 = tpu.memref_slice %arg4[%dma_wait3A_61, %dma_wait3A_62] : memref<524288x256xi32, #tpu.memory_space<hbm>> -> memref<64x256xi32, #tpu.memory_space<hbm>>
      tpu.wait_dma2 semaphore(%arg11 : memref<!tpu.dma_semaphore, #tpu.memory_space<semaphore_mem>>) src(%dma_wait3A_63 : memref<64x256xi32, #tpu.memory_space<hbm>>) dst(%arg7 : memref<64x256xi32, #tpu.memory_space<vmem>>)
    }
    %scan3A_11 = arith.constant 128 : i32
    return
  }
}

#map = affine_map<(d0, d1) -> (0, 0)>
#map1 = affine_map<(d0, d1) -> (0)>
module attributes {stable_mosaic.version = 14 : i64} {
  func.func @_sc_gather_body(%arg0: i32, %arg1: i32, %arg2: memref<10000x256xi32, #tpu.memory_space<hbm>>, %arg3: memref<524288xi32, #tpu.memory_space<hbm>>, %arg4: memref<524288x256xi32, #tpu.memory_space<hbm>>, %arg5: memref<16384xi32, #tpu.memory_space<vmem>>, %arg6: memref<64x256xi32, #tpu.memory_space<vmem>>, %arg7: memref<64x256xi32, #tpu.memory_space<vmem>>, %arg8: memref<!tpu.dma_semaphore, #tpu.memory_space<semaphore_mem>>, %arg9: memref<!tpu.dma_semaphore, #tpu.memory_space<semaphore_mem>>, %arg10: memref<!tpu.dma_semaphore, #tpu.memory_space<semaphore_mem>>, %arg11: memref<!tpu.dma_semaphore, #tpu.memory_space<semaphore_mem>>) attributes {dimension_semantics = [#tpu.dimension_semantics<core_parallel>, #tpu.dimension_semantics<subcore_parallel>], iteration_bounds = array<i64: 2, 16>, scalar_prefetch = 0 : i64, scratch_operands = 7 : i64, tpu.core_type = #tpu.core_type<sc_vector_subcore>, window_params = [{transform_indices = #map}, {transform_indices = #map1}, {transform_indices = #map}]} {
    %mul3A = arith.constant 2 : i32
    %mul3A_0 = arith.muli %arg1, %mul3A : i32
    %add3A = arith.addi %mul3A_0, %arg0 : i32
    %mul3A_1 = arith.constant 16384 : i32
    %mul3A_2 = arith.muli %add3A, %mul3A_1 : i32
    "tpu.region"() ({
      %run_scoped3A = tpu.sem_alloc : memref<!tpu.dma_semaphore, #tpu.memory_space<semaphore_mem>>
      %dma_start3A_12 = tpu.memref_slice %arg3[%mul3A_2] : memref<524288xi32, #tpu.memory_space<hbm>> -> memref<16384xi32, #tpu.memory_space<hbm>>
      %dma_start3A_13 = tpu.memref_slice %arg3[%mul3A_2] : memref<524288xi32, #tpu.memory_space<hbm>> -> memref<16384xi32, #tpu.memory_space<hbm>>
      tpu.enqueue_dma source(%dma_start3A_13 : memref<16384xi32, #tpu.memory_space<hbm>>) target(%arg5 : memref<16384xi32, #tpu.memory_space<vmem>>) target_semaphore(%run_scoped3A : memref<!tpu.dma_semaphore, #tpu.memory_space<semaphore_mem>>)
      %dma_wait3A = tpu.memref_slice %arg3[%mul3A_2] : memref<524288xi32, #tpu.memory_space<hbm>> -> memref<16384xi32, #tpu.memory_space<hbm>>
      %dma_wait3A_14 = tpu.memref_slice %arg3[%mul3A_2] : memref<524288xi32, #tpu.memory_space<hbm>> -> memref<16384xi32, #tpu.memory_space<hbm>>
      tpu.wait_dma2 semaphore(%run_scoped3A : memref<!tpu.dma_semaphore, #tpu.memory_space<semaphore_mem>>) src(%dma_wait3A_14 : memref<16384xi32, #tpu.memory_space<hbm>>) dst(%arg5 : memref<16384xi32, #tpu.memory_space<vmem>>)
      tpu.yield
    }) : () -> ()
    %dma_start3A = arith.constant 0 : i32
    %dma_start3A_3 = tpu.memref_slice %arg5[%dma_start3A] : memref<16384xi32, #tpu.memory_space<vmem>> -> memref<64xi32, #tpu.memory_space<vmem>>
    %dma_start3A_4 = arith.constant 0 : i32
    %dma_start3A_5 = arith.constant 0 : i32
    %dma_start3A_6 = tpu.memref_slice %arg2[%dma_start3A_4, %dma_start3A_5] : memref<10000x256xi32, #tpu.memory_space<hbm>> -> memref<10000x256xi32, #tpu.memory_space<hbm>>
    tpu.enqueue_indirect_dma source(%dma_start3A_6 : memref<10000x256xi32, #tpu.memory_space<hbm>>) target(%arg6 : memref<64x256xi32, #tpu.memory_space<vmem>>) offsets(%dma_start3A_3 : memref<64xi32, #tpu.memory_space<vmem>>) semaphore(%arg8 : memref<!tpu.dma_semaphore, #tpu.memory_space<semaphore_mem>>)
    %scan3A = arith.constant 0 : i32
    %scan3A_7 = arith.constant 0 : i32
    %scan3A_8 = arith.constant 128 : i32
    %scan3A_9 = arith.addi %scan3A_7, %scan3A_8 : i32
    %scan3A_10 = arith.constant 1 : i32
    scf.for %scan3A_12 = %scan3A_7 to %scan3A_9 step %scan3A_10  : i32 {
      %mul3A_13 = arith.constant 2 : i32
      %mul3A_14 = arith.muli %mul3A_13, %scan3A_12 : i32
      %dma_wait3A = arith.constant 0 : i32
      %dma_wait3A_15 = arith.constant 0 : i32
      %dma_wait3A_16 = tpu.memref_slice %arg4[%dma_wait3A, %dma_wait3A_15] : memref<524288x256xi32, #tpu.memory_space<hbm>> -> memref<64x256xi32, #tpu.memory_space<hbm>>
      %dma_wait3A_17 = arith.constant 0 : i32
      %dma_wait3A_18 = arith.constant 0 : i32
      %dma_wait3A_19 = tpu.memref_slice %arg4[%dma_wait3A_17, %dma_wait3A_18] : memref<524288x256xi32, #tpu.memory_space<hbm>> -> memref<64x256xi32, #tpu.memory_space<hbm>>
      tpu.wait_dma2 semaphore(%arg8 : memref<!tpu.dma_semaphore, #tpu.memory_space<semaphore_mem>>) src(%dma_wait3A_19 : memref<64x256xi32, #tpu.memory_space<hbm>>) dst(%arg6 : memref<64x256xi32, #tpu.memory_space<vmem>>)
      %add3A_20 = arith.constant 1 : i32
      %add3A_21 = arith.addi %mul3A_14, %add3A_20 : i32
      %mul3A_22 = arith.constant 64 : i32
      %mul3A_23 = arith.muli %add3A_21, %mul3A_22 : i32
      %dma_start3A_24 = tpu.memref_slice %arg5[%mul3A_23] : memref<16384xi32, #tpu.memory_space<vmem>> -> memref<64xi32, #tpu.memory_space<vmem>>
      %dma_start3A_25 = arith.constant 0 : i32
      %dma_start3A_26 = arith.constant 0 : i32
      %dma_start3A_27 = tpu.memref_slice %arg2[%dma_start3A_25, %dma_start3A_26] : memref<10000x256xi32, #tpu.memory_space<hbm>> -> memref<10000x256xi32, #tpu.memory_space<hbm>>
      tpu.enqueue_indirect_dma source(%dma_start3A_27 : memref<10000x256xi32, #tpu.memory_space<hbm>>) target(%arg7 : memref<64x256xi32, #tpu.memory_space<vmem>>) offsets(%dma_start3A_24 : memref<64xi32, #tpu.memory_space<vmem>>) semaphore(%arg9 : memref<!tpu.dma_semaphore, #tpu.memory_space<semaphore_mem>>)
      %mul3A_28 = arith.constant 64 : i32
      %mul3A_29 = arith.muli %mul3A_14, %mul3A_28 : i32
      %add3A_30 = arith.addi %mul3A_2, %mul3A_29 : i32
      %dma_start3A_31 = arith.constant 0 : i32
      %dma_start3A_32 = tpu.memref_slice %arg4[%add3A_30, %dma_start3A_31] : memref<524288x256xi32, #tpu.memory_space<hbm>> -> memref<64x256xi32, #tpu.memory_space<hbm>>
      %dma_start3A_33 = arith.constant 0 : i32
      %dma_start3A_34 = tpu.memref_slice %arg4[%add3A_30, %dma_start3A_33] : memref<524288x256xi32, #tpu.memory_space<hbm>> -> memref<64x256xi32, #tpu.memory_space<hbm>>
      tpu.enqueue_dma source(%arg6 : memref<64x256xi32, #tpu.memory_space<vmem>>) target(%dma_start3A_34 : memref<64x256xi32, #tpu.memory_space<hbm>>) target_semaphore(%arg10 : memref<!tpu.dma_semaphore, #tpu.memory_space<semaphore_mem>>)
      %dma_wait3A_35 = arith.constant 0 : i32
      %dma_wait3A_36 = arith.constant 0 : i32
      %dma_wait3A_37 = tpu.memref_slice %arg4[%dma_wait3A_35, %dma_wait3A_36] : memref<524288x256xi32, #tpu.memory_space<hbm>> -> memref<64x256xi32, #tpu.memory_space<hbm>>
      %dma_wait3A_38 = arith.constant 0 : i32
      %dma_wait3A_39 = arith.constant 0 : i32
      %dma_wait3A_40 = tpu.memref_slice %arg4[%dma_wait3A_38, %dma_wait3A_39] : memref<524288x256xi32, #tpu.memory_space<hbm>> -> memref<64x256xi32, #tpu.memory_space<hbm>>
      tpu.wait_dma2 semaphore(%arg10 : memref<!tpu.dma_semaphore, #tpu.memory_space<semaphore_mem>>) src(%dma_wait3A_40 : memref<64x256xi32, #tpu.memory_space<hbm>>) dst(%arg6 : memref<64x256xi32, #tpu.memory_space<vmem>>)
      %lt3A = arith.constant 127 : i32
      %lt3A_41 = arith.cmpi slt, %scan3A_12, %lt3A : i32
      %convert_element_type3A = arith.extui %lt3A_41 : i1 to i32
      %cond3A = arith.constant 0 : i32
      %cond3A_42 = arith.cmpi ne, %convert_element_type3A, %cond3A : i32
      scf.if %cond3A_42 {
        %add3A_64 = arith.constant 2 : i32
        %add3A_65 = arith.addi %mul3A_14, %add3A_64 : i32
        %mul3A_66 = arith.constant 64 : i32
        %mul3A_67 = arith.muli %add3A_65, %mul3A_66 : i32
        %dma_start3A_68 = tpu.memref_slice %arg5[%mul3A_67] : memref<16384xi32, #tpu.memory_space<vmem>> -> memref<64xi32, #tpu.memory_space<vmem>>
        %dma_start3A_69 = arith.constant 0 : i32
        %dma_start3A_70 = arith.constant 0 : i32
        %dma_start3A_71 = tpu.memref_slice %arg2[%dma_start3A_69, %dma_start3A_70] : memref<10000x256xi32, #tpu.memory_space<hbm>> -> memref<10000x256xi32, #tpu.memory_space<hbm>>
        tpu.enqueue_indirect_dma source(%dma_start3A_71 : memref<10000x256xi32, #tpu.memory_space<hbm>>) target(%arg6 : memref<64x256xi32, #tpu.memory_space<vmem>>) offsets(%dma_start3A_68 : memref<64xi32, #tpu.memory_space<vmem>>) semaphore(%arg8 : memref<!tpu.dma_semaphore, #tpu.memory_space<semaphore_mem>>)
      } else {
      }
      %dma_wait3A_43 = arith.constant 0 : i32
      %dma_wait3A_44 = arith.constant 0 : i32
      %dma_wait3A_45 = tpu.memref_slice %arg4[%dma_wait3A_43, %dma_wait3A_44] : memref<524288x256xi32, #tpu.memory_space<hbm>> -> memref<64x256xi32, #tpu.memory_space<hbm>>
      %dma_wait3A_46 = arith.constant 0 : i32
      %dma_wait3A_47 = arith.constant 0 : i32
      %dma_wait3A_48 = tpu.memref_slice %arg4[%dma_wait3A_46, %dma_wait3A_47] : memref<524288x256xi32, #tpu.memory_space<hbm>> -> memref<64x256xi32, #tpu.memory_space<hbm>>
      tpu.wait_dma2 semaphore(%arg9 : memref<!tpu.dma_semaphore, #tpu.memory_space<semaphore_mem>>) src(%dma_wait3A_48 : memref<64x256xi32, #tpu.memory_space<hbm>>) dst(%arg7 : memref<64x256xi32, #tpu.memory_space<vmem>>)
      %add3A_49 = arith.constant 1 : i32
      %add3A_50 = arith.addi %mul3A_14, %add3A_49 : i32
      %mul3A_51 = arith.constant 64 : i32
      %mul3A_52 = arith.muli %add3A_50, %mul3A_51 : i32
      %add3A_53 = arith.addi %mul3A_2, %mul3A_52 : i32
      %dma_start3A_54 = arith.constant 0 : i32
      %dma_start3A_55 = tpu.memref_slice %arg4[%add3A_53, %dma_start3A_54] : memref<524288x256xi32, #tpu.memory_space<hbm>> -> memref<64x256xi32, #tpu.memory_space<hbm>>
      %dma_start3A_56 = arith.constant 0 : i32
      %dma_start3A_57 = tpu.memref_slice %arg4[%add3A_53, %dma_start3A_56] : memref<524288x256xi32, #tpu.memory_space<hbm>> -> memref<64x256xi32, #tpu.memory_space<hbm>>
      tpu.enqueue_dma source(%arg7 : memref<64x256xi32, #tpu.memory_space<vmem>>) target(%dma_start3A_57 : memref<64x256xi32, #tpu.memory_space<hbm>>) target_semaphore(%arg11 : memref<!tpu.dma_semaphore, #tpu.memory_space<semaphore_mem>>)
      %dma_wait3A_58 = arith.constant 0 : i32
      %dma_wait3A_59 = arith.constant 0 : i32
      %dma_wait3A_60 = tpu.memref_slice %arg4[%dma_wait3A_58, %dma_wait3A_59] : memref<524288x256xi32, #tpu.memory_space<hbm>> -> memref<64x256xi32, #tpu.memory_space<hbm>>
      %dma_wait3A_61 = arith.constant 0 : i32
      %dma_wait3A_62 = arith.constant 0 : i32
      %dma_wait3A_63 = tpu.memref_slice %arg4[%dma_wait3A_61, %dma_wait3A_62] : memref<524288x256xi32, #tpu.memory_space<hbm>> -> memref<64x256xi32, #tpu.memory_space<hbm>>
      tpu.wait_dma2 semaphore(%arg11 : memref<!tpu.dma_semaphore, #tpu.memory_space<semaphore_mem>>) src(%dma_wait3A_63 : memref<64x256xi32, #tpu.memory_space<hbm>>) dst(%arg7 : memref<64x256xi32, #tpu.memory_space<vmem>>)
    }
    %scan3A_11 = arith.constant 128 : i32
    return
  }
}

module attributes {stable_mosaic.version = 14 : i64} {
  func.func @_msg_block(%arg0: i32, %arg1: memref<2048xi32, #tpu.memory_space<smem>>, %arg2: memref<256xf32, #tpu.memory_space<vmem>>, %arg3: memref<256xf32, #tpu.memory_space<vmem>>, %arg4: memref<256xf32, #tpu.memory_space<vmem>>, %arg5: memref<256xf32, #tpu.memory_space<vmem>>, %arg6: memref<256xf32, #tpu.memory_space<vmem>>, %arg7: memref<256xi32, #tpu.memory_space<vmem>>, %arg8: memref<256x128xi32, #tpu.memory_space<vmem>>, %arg9: memref<24x384xf32, #tpu.memory_space<vmem>>, %arg10: memref<384xf32, #tpu.memory_space<vmem>>, %arg11: memref<128x384xf32, #tpu.memory_space<vmem>>, %arg12: memref<384xf32, #tpu.memory_space<vmem>>, %arg13: memref<10240x512xf32, #tpu.memory_space<vmem>>) attributes {dimension_semantics = [#tpu.dimension_semantics<arbitrary>], iteration_bounds = array<i64: 2048>, scalar_prefetch = 0 : i64, scratch_operands = 0 : i64, tpu.core_type = #tpu.core_type<tc>, window_params = [{transform_indices = @transform_0, window_bounds = array<i64: 2048>}, {transform_indices = @transform_1, window_bounds = array<i64: 256>}, {transform_indices = @transform_2, window_bounds = array<i64: 256>}, {transform_indices = @transform_3, window_bounds = array<i64: 256>}, {transform_indices = @transform_4, window_bounds = array<i64: 256>}, {transform_indices = @transform_5, window_bounds = array<i64: 256>}, {transform_indices = @transform_6, window_bounds = array<i64: 256>}, {transform_indices = @transform_7, window_bounds = array<i64: 256, 128>}, {pipeline_mode = #tpu.pipeline_mode<synchronous>, transform_indices = @transform_8, window_bounds = array<i64: 24, 384>}, {pipeline_mode = #tpu.pipeline_mode<synchronous>, transform_indices = @transform_9, window_bounds = array<i64: 384>}, {pipeline_mode = #tpu.pipeline_mode<synchronous>, transform_indices = @transform_10, window_bounds = array<i64: 128, 384>}, {pipeline_mode = #tpu.pipeline_mode<synchronous>, transform_indices = @transform_11, window_bounds = array<i64: 384>}, {pipeline_mode = #tpu.pipeline_mode<synchronous>, transform_indices = @transform_12, window_bounds = array<i64: 10240, 512>}]} {
    %eq3A = arith.constant 0 : i32
    %eq3A_0 = arith.cmpi eq, %arg0, %eq3A : i32
    %convert_element_type3A = arith.extui %eq3A_0 : i1 to i32
    %cond3A = arith.constant 0 : i32
    %cond3A_1 = arith.cmpi ne, %convert_element_type3A, %cond3A : i32
    scf.if %cond3A_1 {
      %broadcast_in_dim3A_92 = arith.constant 0.000000e+00 : f32
      %broadcast_in_dim3A_93 = vector.broadcast %broadcast_in_dim3A_92 : f32 to vector<10240x512xf32>
      %swap3A_94 = arith.constant 0 : index
      %swap3A_95 = arith.constant 0 : index
      %swap3A_96 = vector.load %arg13[%swap3A_94, %swap3A_95] : memref<10240x512xf32, #tpu.memory_space<vmem>>, vector<10240x512xf32>
      tpu.vector_store %arg13[%swap3A_94, %swap3A_95], %broadcast_in_dim3A_93 {strides = array<i32>} : memref<10240x512xf32, #tpu.memory_space<vmem>>, vector<10240x512xf32>,
    } else {
    }
    %get3A = arith.constant 0 : index
    %get3A_2 = vector.load %arg2[%get3A] : memref<256xf32, #tpu.memory_space<vmem>>, vector<256xf32>
    %broadcast_in_dim3A = vector.shape_cast %get3A_2 : vector<256xf32> to vector<256x1xf32>
    %iota3A = tpu.iota {dimensions = array<i32: 1>} : vector<1x24xi32>
    %convert_element_type3A_3 = arith.sitofp %iota3A : vector<1x24xi32> to vector<1x24xf32>
    %mul3A = arith.constant 0.263157904 : f32
    %mul3A_4 = vector.broadcast %mul3A : f32 to vector<1x24xf32>
    %mul3A_5 = arith.mulf %convert_element_type3A_3, %mul3A_4 : vector<1x24xf32>
    %sub3A = vector.broadcast %broadcast_in_dim3A : vector<256x1xf32> to vector<256x24xf32>
    %sub3A_6 = vector.broadcast %mul3A_5 : vector<1x24xf32> to vector<256x24xf32>
    %sub3A_7 = arith.subf %sub3A, %sub3A_6 : vector<256x24xf32>
    %div3A = arith.constant 0.263157904 : f32
    %div3A_8 = vector.broadcast %div3A : f32 to vector<256x24xf32>
    %div3A_9 = arith.divf %sub3A_7, %div3A_8 : vector<256x24xf32>
    %integer_pow3A = arith.mulf %div3A_9, %div3A_9 : vector<256x24xf32>
    %mul3A_10 = arith.constant -5.000000e-01 : f32
    %mul3A_11 = vector.broadcast %mul3A_10 : f32 to vector<256x24xf32>
    %mul3A_12 = arith.mulf %mul3A_11, %integer_pow3A : vector<256x24xf32>
    %exp3A = math.exp %mul3A_12 : vector<256x24xf32>
    %mul3A_13 = arith.constant 0.628318548 : f32
    %mul3A_14 = vector.broadcast %mul3A_13 : f32 to vector<256x1xf32>
    %mul3A_15 = arith.mulf %broadcast_in_dim3A, %mul3A_14 : vector<256x1xf32>
    %cos3A = math.cos %mul3A_15 : vector<256x1xf32>
    %add3A = arith.constant 1.000000e+00 : f32
    %add3A_16 = vector.broadcast %add3A : f32 to vector<256x1xf32>
    %add3A_17 = arith.addf %cos3A, %add3A_16 : vector<256x1xf32>
    %mul3A_18 = arith.constant 5.000000e-01 : f32
    %mul3A_19 = vector.broadcast %mul3A_18 : f32 to vector<256x1xf32>
    %mul3A_20 = arith.mulf %mul3A_19, %add3A_17 : vector<256x1xf32>
    %lt3A = arith.constant 5.000000e+00 : f32
    %lt3A_21 = vector.broadcast %lt3A : f32 to vector<256x1xf32>
    %lt3A_22 = arith.cmpf olt, %broadcast_in_dim3A, %lt3A_21 : vector<256x1xf32>
    %convert_element_type3A_23 = arith.extui %lt3A_22 : vector<256x1xi1> to vector<256x1xi32>
    %convert_element_type3A_24 = arith.sitofp %convert_element_type3A_23 : vector<256x1xi32> to vector<256x1xf32>
    %mul3A_25 = arith.mulf %mul3A_20, %convert_element_type3A_24 : vector<256x1xf32>
    %get3A_26 = arith.constant 0 : index
    %get3A_27 = arith.constant 0 : index
    %get3A_28 = vector.load %arg9[%get3A_26, %get3A_27] : memref<24x384xf32, #tpu.memory_space<vmem>>, vector<24x384xf32>
    %dot_general3A = arith.constant dense<0.000000e+00> : vector<256x384xf32>
    %dot_general3A_29 = tpu.matmul %exp3A, %get3A_28, %dot_general3A {dimension_numbers = #tpu.dot_dimension_numbers<[1], [0], [0], [1], [0, 0, 1, 1], [], []>, transpose_lhs_hint = false} : vector<256x24xf32>, vector<24x384xf32>, vector<256x384xf32> -> vector<256x384xf32>
    %get3A_30 = arith.constant 0 : index
    %get3A_31 = vector.load %arg10[%get3A_30] : memref<384xf32, #tpu.memory_space<vmem>>, vector<384xf32>
    %broadcast_in_dim3A_32 = vector.shape_cast %get3A_31 : vector<384xf32> to vector<1x384xf32>
    %add3A_33 = vector.broadcast %broadcast_in_dim3A_32 : vector<1x384xf32> to vector<256x384xf32>
    %add3A_34 = arith.addf %dot_general3A_29, %add3A_33 : vector<256x384xf32>
    %mul3A_35 = vector.broadcast %mul3A_25 : vector<256x1xf32> to vector<256x384xf32>
    %mul3A_36 = arith.mulf %add3A_34, %mul3A_35 : vector<256x384xf32>
    %get3A_37 = arith.constant 0 : index
    %get3A_38 = vector.load %arg3[%get3A_37] : memref<256xf32, #tpu.memory_space<vmem>>, vector<256xf32>
    %broadcast_in_dim3A_39 = vector.shape_cast %get3A_38 : vector<256xf32> to vector<256x1xf32>
    %mul3A_40 = vector.broadcast %broadcast_in_dim3A_39 : vector<256x1xf32> to vector<256x384xf32>
    %mul3A_41 = arith.mulf %mul3A_36, %mul3A_40 : vector<256x384xf32>
    %get3A_42 = arith.constant 0 : index
    %get3A_43 = arith.constant 0 : index
    %get3A_44 = vector.load %arg8[%get3A_42, %get3A_43] : memref<256x128xi32, #tpu.memory_space<vmem>>, vector<256x128xi32>
    %bitcast_convert_type3A = tpu.bitcast %get3A_44 : vector<256x128xi32> -> vector<256x128xf32>
    %get3A_45 = arith.constant 0 : index
    %get3A_46 = arith.constant 0 : index
    %get3A_47 = vector.load %arg11[%get3A_45, %get3A_46] : memref<128x384xf32, #tpu.memory_space<vmem>>, vector<128x384xf32>
    %dot_general3A_48 = arith.constant dense<0.000000e+00> : vector<256x384xf32>
    %dot_general3A_49 = tpu.matmul %bitcast_convert_type3A, %get3A_47, %dot_general3A_48 {dimension_numbers = #tpu.dot_dimension_numbers<[1], [0], [0], [1], [0, 0, 1, 1], [], []>, transpose_lhs_hint = false} : vector<256x128xf32>, vector<128x384xf32>, vector<256x384xf32> -> vector<256x384xf32>
    %get3A_50 = arith.constant 0 : index
    %get3A_51 = vector.load %arg12[%get3A_50] : memref<384xf32, #tpu.memory_space<vmem>>, vector<384xf32>
    %broadcast_in_dim3A_52 = vector.shape_cast %get3A_51 : vector<384xf32> to vector<1x384xf32>
    %add3A_53 = vector.broadcast %broadcast_in_dim3A_52 : vector<1x384xf32> to vector<256x384xf32>
    %add3A_54 = arith.addf %dot_general3A_49, %add3A_53 : vector<256x384xf32>
    %mul3A_55 = arith.mulf %mul3A_41, %add3A_54 : vector<256x384xf32>
    %slice3A = vector.extract_strided_slice %mul3A_55 {offsets = [0, 0], sizes = [256, 128], strides = [1, 1]} : vector<256x384xf32> to vector<256x128xf32>
    %slice3A_56 = vector.extract_strided_slice %mul3A_55 {offsets = [0, 128], sizes = [256, 128], strides = [1, 1]} : vector<256x384xf32> to vector<256x128xf32>
    %get3A_57 = arith.constant 0 : index
    %get3A_58 = vector.load %arg4[%get3A_57] : memref<256xf32, #tpu.memory_space<vmem>>, vector<256xf32>
    %broadcast_in_dim3A_59 = vector.shape_cast %get3A_58 : vector<256xf32> to vector<256x1xf32>
    %mul3A_60 = vector.broadcast %broadcast_in_dim3A_59 : vector<256x1xf32> to vector<256x128xf32>
    %mul3A_61 = arith.mulf %slice3A_56, %mul3A_60 : vector<256x128xf32>
    %get3A_62 = arith.constant 0 : index
    %get3A_63 = vector.load %arg5[%get3A_62] : memref<256xf32, #tpu.memory_space<vmem>>, vector<256xf32>
    %broadcast_in_dim3A_64 = vector.shape_cast %get3A_63 : vector<256xf32> to vector<256x1xf32>
    %mul3A_65 = vector.broadcast %broadcast_in_dim3A_64 : vector<256x1xf32> to vector<256x128xf32>
    %mul3A_66 = arith.mulf %slice3A_56, %mul3A_65 : vector<256x128xf32>
    %get3A_67 = arith.constant 0 : index
    %get3A_68 = vector.load %arg6[%get3A_67] : memref<256xf32, #tpu.memory_space<vmem>>, vector<256xf32>
    %broadcast_in_dim3A_69 = vector.shape_cast %get3A_68 : vector<256xf32> to vector<256x1xf32>
    %mul3A_70 = vector.broadcast %broadcast_in_dim3A_69 : vector<256x1xf32> to vector<256x128xf32>
    %mul3A_71 = arith.mulf %slice3A_56, %mul3A_70 : vector<256x128xf32>
    %concatenate3A = tpu.concatenate %slice3A, %mul3A_61, %mul3A_66, %mul3A_71 in 1 : vector<256x128xf32>, vector<256x128xf32>, vector<256x128xf32>, vector<256x128xf32> -> vector<256x512xf32>
    %get3A_72 = arith.index_cast %arg0 : i32 to index
    %get3A_73 = memref.load %arg1[%get3A_72] : memref<2048xi32, #tpu.memory_space<smem>>
    %multiple_of3A = tpu.assume_multiple %get3A_73, 8 : i32
    %get3A_74 = arith.constant 0 : index
    %get3A_75 = vector.load %arg7[%get3A_74] : memref<256xi32, #tpu.memory_space<vmem>>, vector<256xi32>
    %sub3A_76 = vector.broadcast %multiple_of3A : i32 to vector<256xi32>
    %sub3A_77 = arith.subi %get3A_75, %sub3A_76 : vector<256xi32>
    %iota3A_78 = tpu.iota {dimensions = array<i32: 0>} : vector<512x256xi32>
    %broadcast_in_dim3A_79 = vector.shape_cast %sub3A_77 : vector<256xi32> to vector<1x256xi32>
    %eq3A_80 = vector.broadcast %broadcast_in_dim3A_79 : vector<1x256xi32> to vector<512x256xi32>
    %eq3A_81 = arith.cmpi eq, %iota3A_78, %eq3A_80 : vector<512x256xi32>
    %convert_element_type3A_82 = arith.extui %eq3A_81 : vector<512x256xi1> to vector<512x256xi32>
    %convert_element_type3A_83 = arith.sitofp %convert_element_type3A_82 : vector<512x256xi32> to vector<512x256xf32>
    %dot_general3A_84 = arith.constant dense<0.000000e+00> : vector<512x512xf32>
    %dot_general3A_85 = tpu.matmul %convert_element_type3A_83, %concatenate3A, %dot_general3A_84 {dimension_numbers = #tpu.dot_dimension_numbers<[1], [0], [0], [1], [0, 0, 1, 1], [], []>, transpose_lhs_hint = false} : vector<512x256xf32>, vector<256x512xf32>, vector<512x512xf32> -> vector<512x512xf32>
    %get3A_86 = arith.index_cast %multiple_of3A : i32 to index
    %get3A_87 = arith.constant 0 : index
    %get3A_88 = vector.load %arg13[%get3A_86, %get3A_87] : memref<10240x512xf32, #tpu.memory_space<vmem>>, vector<512x512xf32>
    %add3A_89 = arith.addf %get3A_88, %dot_general3A_85 : vector<512x512xf32>
    %swap3A = arith.index_cast %multiple_of3A : i32 to index
    %swap3A_90 = arith.constant 0 : index
    %swap3A_91 = vector.load %arg13[%swap3A, %swap3A_90] : memref<10240x512xf32, #tpu.memory_space<vmem>>, vector<512x512xf32>
    tpu.vector_store %arg13[%swap3A, %swap3A_90], %add3A_89 {strides = array<i32>} : memref<10240x512xf32, #tpu.memory_space<vmem>>, vector<512x512xf32>,
    return
  }
  func.func @transform_0(%arg0: i32) -> i32 {
    %c0_i32 = arith.constant 0 : i32
    %c0_i32_0 = arith.constant 0 : i32
    return %c0_i32 : i32
  }
  func.func @transform_1(%arg0: i32) -> i32 {
    %c0_i32 = arith.constant 0 : i32
    return %arg0 : i32
  }
  func.func @transform_2(%arg0: i32) -> i32 {
    %c0_i32 = arith.constant 0 : i32
    return %arg0 : i32
  }
  func.func @transform_3(%arg0: i32) -> i32 {
    %c0_i32 = arith.constant 0 : i32
    return %arg0 : i32
  }
  func.func @transform_4(%arg0: i32) -> i32 {
    %c0_i32 = arith.constant 0 : i32
    return %arg0 : i32
  }
  func.func @transform_5(%arg0: i32) -> i32 {
    %c0_i32 = arith.constant 0 : i32
    return %arg0 : i32
  }
  func.func @transform_6(%arg0: i32) -> i32 {
    %c0_i32 = arith.constant 0 : i32
    return %arg0 : i32
  }
  func.func @transform_7(%arg0: i32) -> (i32, i32) {
    %c0_i32 = arith.constant 0 : i32
    %c0_i32_0 = arith.constant 0 : i32
    return %arg0, %c0_i32 : i32, i32
  }
  func.func @transform_8(%arg0: i32) -> (i32, i32) {
    %c0_i32 = arith.constant 0 : i32
    %c0_i32_0 = arith.constant 0 : i32
    %c0_i32_1 = arith.constant 0 : i32
    return %c0_i32, %c0_i32_0 : i32, i32
  }
  func.func @transform_9(%arg0: i32) -> i32 {
    %c0_i32 = arith.constant 0 : i32
    %c0_i32_0 = arith.constant 0 : i32
    return %c0_i32 : i32
  }
  func.func @transform_10(%arg0: i32) -> (i32, i32) {
    %c0_i32 = arith.constant 0 : i32
    %c0_i32_0 = arith.constant 0 : i32
    %c0_i32_1 = arith.constant 0 : i32
    return %c0_i32, %c0_i32_0 : i32, i32
  }
  func.func @transform_11(%arg0: i32) -> i32 {
    %c0_i32 = arith.constant 0 : i32
    %c0_i32_0 = arith.constant 0 : i32
    return %c0_i32 : i32
  }
  func.func @transform_12(%arg0: i32) -> (i32, i32) {
    %c0_i32 = arith.constant 0 : i32
    %c0_i32_0 = arith.constant 0 : i32
    %c0_i32_1 = arith.constant 0 : i32
    return %c0_i32, %c0_i32_0 : i32, i32
  }
}

module attributes {stable_mosaic.version = 14 : i64} {
  func.func @_msg_block(%arg0: i32, %arg1: memref<2048xi32, #tpu.memory_space<smem>>, %arg2: memref<256xf32, #tpu.memory_space<vmem>>, %arg3: memref<256xf32, #tpu.memory_space<vmem>>, %arg4: memref<256xf32, #tpu.memory_space<vmem>>, %arg5: memref<256xf32, #tpu.memory_space<vmem>>, %arg6: memref<256xf32, #tpu.memory_space<vmem>>, %arg7: memref<256xi32, #tpu.memory_space<vmem>>, %arg8: memref<256x256xi32, #tpu.memory_space<vmem>>, %arg9: memref<24x384xf32, #tpu.memory_space<vmem>>, %arg10: memref<384xf32, #tpu.memory_space<vmem>>, %arg11: memref<128x384xf32, #tpu.memory_space<vmem>>, %arg12: memref<384xf32, #tpu.memory_space<vmem>>, %arg13: memref<10240x512xf32, #tpu.memory_space<vmem>>) attributes {dimension_semantics = [#tpu.dimension_semantics<arbitrary>], iteration_bounds = array<i64: 2048>, scalar_prefetch = 0 : i64, scratch_operands = 0 : i64, tpu.core_type = #tpu.core_type<tc>, window_params = [{transform_indices = @transform_0, window_bounds = array<i64: 2048>}, {transform_indices = @transform_1, window_bounds = array<i64: 256>}, {transform_indices = @transform_2, window_bounds = array<i64: 256>}, {transform_indices = @transform_3, window_bounds = array<i64: 256>}, {transform_indices = @transform_4, window_bounds = array<i64: 256>}, {transform_indices = @transform_5, window_bounds = array<i64: 256>}, {transform_indices = @transform_6, window_bounds = array<i64: 256>}, {transform_indices = @transform_7, window_bounds = array<i64: 256, 256>}, {pipeline_mode = #tpu.pipeline_mode<synchronous>, transform_indices = @transform_8, window_bounds = array<i64: 24, 384>}, {pipeline_mode = #tpu.pipeline_mode<synchronous>, transform_indices = @transform_9, window_bounds = array<i64: 384>}, {pipeline_mode = #tpu.pipeline_mode<synchronous>, transform_indices = @transform_10, window_bounds = array<i64: 128, 384>}, {pipeline_mode = #tpu.pipeline_mode<synchronous>, transform_indices = @transform_11, window_bounds = array<i64: 384>}, {pipeline_mode = #tpu.pipeline_mode<synchronous>, transform_indices = @transform_12, window_bounds = array<i64: 10240, 512>}]} {
    %eq3A = arith.constant 0 : i32
    %eq3A_0 = arith.cmpi eq, %arg0, %eq3A : i32
    %convert_element_type3A = arith.extui %eq3A_0 : i1 to i32
    %cond3A = arith.constant 0 : i32
    %cond3A_1 = arith.cmpi ne, %convert_element_type3A, %cond3A : i32
    scf.if %cond3A_1 {
      %broadcast_in_dim3A_108 = arith.constant 0.000000e+00 : f32
      %broadcast_in_dim3A_109 = vector.broadcast %broadcast_in_dim3A_108 : f32 to vector<10240x512xf32>
      %swap3A_110 = arith.constant 0 : index
      %swap3A_111 = arith.constant 0 : index
      %swap3A_112 = vector.load %arg13[%swap3A_110, %swap3A_111] : memref<10240x512xf32, #tpu.memory_space<vmem>>, vector<10240x512xf32>
      tpu.vector_store %arg13[%swap3A_110, %swap3A_111], %broadcast_in_dim3A_109 {strides = array<i32>} : memref<10240x512xf32, #tpu.memory_space<vmem>>, vector<10240x512xf32>,
    } else {
    }
    %get3A = arith.constant 0 : index
    %get3A_2 = vector.load %arg2[%get3A] : memref<256xf32, #tpu.memory_space<vmem>>, vector<256xf32>
    %broadcast_in_dim3A = vector.shape_cast %get3A_2 : vector<256xf32> to vector<256x1xf32>
    %iota3A = tpu.iota {dimensions = array<i32: 1>} : vector<1x24xi32>
    %convert_element_type3A_3 = arith.sitofp %iota3A : vector<1x24xi32> to vector<1x24xf32>
    %mul3A = arith.constant 0.263157904 : f32
    %mul3A_4 = vector.broadcast %mul3A : f32 to vector<1x24xf32>
    %mul3A_5 = arith.mulf %convert_element_type3A_3, %mul3A_4 : vector<1x24xf32>
    %sub3A = vector.broadcast %broadcast_in_dim3A : vector<256x1xf32> to vector<256x24xf32>
    %sub3A_6 = vector.broadcast %mul3A_5 : vector<1x24xf32> to vector<256x24xf32>
    %sub3A_7 = arith.subf %sub3A, %sub3A_6 : vector<256x24xf32>
    %div3A = arith.constant 0.263157904 : f32
    %div3A_8 = vector.broadcast %div3A : f32 to vector<256x24xf32>
    %div3A_9 = arith.divf %sub3A_7, %div3A_8 : vector<256x24xf32>
    %integer_pow3A = arith.mulf %div3A_9, %div3A_9 : vector<256x24xf32>
    %mul3A_10 = arith.constant -5.000000e-01 : f32
    %mul3A_11 = vector.broadcast %mul3A_10 : f32 to vector<256x24xf32>
    %mul3A_12 = arith.mulf %mul3A_11, %integer_pow3A : vector<256x24xf32>
    %exp3A = math.exp %mul3A_12 : vector<256x24xf32>
    %mul3A_13 = arith.constant 0.628318548 : f32
    %mul3A_14 = vector.broadcast %mul3A_13 : f32 to vector<256x1xf32>
    %mul3A_15 = arith.mulf %broadcast_in_dim3A, %mul3A_14 : vector<256x1xf32>
    %cos3A = math.cos %mul3A_15 : vector<256x1xf32>
    %add3A = arith.constant 1.000000e+00 : f32
    %add3A_16 = vector.broadcast %add3A : f32 to vector<256x1xf32>
    %add3A_17 = arith.addf %cos3A, %add3A_16 : vector<256x1xf32>
    %mul3A_18 = arith.constant 5.000000e-01 : f32
    %mul3A_19 = vector.broadcast %mul3A_18 : f32 to vector<256x1xf32>
    %mul3A_20 = arith.mulf %mul3A_19, %add3A_17 : vector<256x1xf32>
    %lt3A = arith.constant 5.000000e+00 : f32
    %lt3A_21 = vector.broadcast %lt3A : f32 to vector<256x1xf32>
    %lt3A_22 = arith.cmpf olt, %broadcast_in_dim3A, %lt3A_21 : vector<256x1xf32>
    %convert_element_type3A_23 = arith.extui %lt3A_22 : vector<256x1xi1> to vector<256x1xi32>
    %convert_element_type3A_24 = arith.sitofp %convert_element_type3A_23 : vector<256x1xi32> to vector<256x1xf32>
    %mul3A_25 = arith.mulf %mul3A_20, %convert_element_type3A_24 : vector<256x1xf32>
    %get3A_26 = arith.constant 0 : index
    %get3A_27 = arith.constant 0 : index
    %get3A_28 = vector.load %arg9[%get3A_26, %get3A_27] : memref<24x384xf32, #tpu.memory_space<vmem>>, vector<24x384xf32>
    %dot_general3A = arith.constant dense<0.000000e+00> : vector<256x384xf32>
    %dot_general3A_29 = tpu.matmul %exp3A, %get3A_28, %dot_general3A {dimension_numbers = #tpu.dot_dimension_numbers<[1], [0], [0], [1], [0, 0, 1, 1], [], []>, transpose_lhs_hint = false} : vector<256x24xf32>, vector<24x384xf32>, vector<256x384xf32> -> vector<256x384xf32>
    %get3A_30 = arith.constant 0 : index
    %get3A_31 = vector.load %arg10[%get3A_30] : memref<384xf32, #tpu.memory_space<vmem>>, vector<384xf32>
    %broadcast_in_dim3A_32 = vector.shape_cast %get3A_31 : vector<384xf32> to vector<1x384xf32>
    %add3A_33 = vector.broadcast %broadcast_in_dim3A_32 : vector<1x384xf32> to vector<256x384xf32>
    %add3A_34 = arith.addf %dot_general3A_29, %add3A_33 : vector<256x384xf32>
    %mul3A_35 = vector.broadcast %mul3A_25 : vector<256x1xf32> to vector<256x384xf32>
    %mul3A_36 = arith.mulf %add3A_34, %mul3A_35 : vector<256x384xf32>
    %get3A_37 = arith.constant 0 : index
    %get3A_38 = vector.load %arg3[%get3A_37] : memref<256xf32, #tpu.memory_space<vmem>>, vector<256xf32>
    %broadcast_in_dim3A_39 = vector.shape_cast %get3A_38 : vector<256xf32> to vector<256x1xf32>
    %mul3A_40 = vector.broadcast %broadcast_in_dim3A_39 : vector<256x1xf32> to vector<256x384xf32>
    %mul3A_41 = arith.mulf %mul3A_36, %mul3A_40 : vector<256x384xf32>
    %get3A_42 = arith.constant 0 : index
    %get3A_43 = arith.constant 0 : index
    %get3A_44 = vector.load %arg8[%get3A_42, %get3A_43] : memref<256x256xi32, #tpu.memory_space<vmem>>, vector<256x256xi32>
    %shift_left3A = arith.constant 16 : i32
    %shift_left3A_45 = vector.broadcast %shift_left3A : i32 to vector<256x256xi32>
    %shift_left3A_46 = arith.shli %get3A_44, %shift_left3A_45 : vector<256x256xi32>
    %bitcast_convert_type3A = tpu.bitcast %shift_left3A_46 : vector<256x256xi32> -> vector<256x256xf32>
    %and3A = arith.constant -65536 : i32
    %and3A_47 = vector.broadcast %and3A : i32 to vector<256x256xi32>
    %and3A_48 = arith.andi %get3A_44, %and3A_47 : vector<256x256xi32>
    %bitcast_convert_type3A_49 = tpu.bitcast %and3A_48 : vector<256x256xi32> -> vector<256x256xf32>
    %slice3A = vector.extract_strided_slice %bitcast_convert_type3A {offsets = [0, 0], sizes = [256, 128], strides = [1, 1]} : vector<256x256xf32> to vector<256x128xf32>
    %get3A_50 = arith.constant 0 : index
    %get3A_51 = arith.constant 0 : index
    %get3A_52 = vector.load %arg11[%get3A_50, %get3A_51] : memref<128x384xf32, #tpu.memory_space<vmem>>, vector<128x384xf32>
    %dot_general3A_53 = arith.constant dense<0.000000e+00> : vector<256x384xf32>
    %dot_general3A_54 = tpu.matmul %slice3A, %get3A_52, %dot_general3A_53 {dimension_numbers = #tpu.dot_dimension_numbers<[1], [0], [0], [1], [0, 0, 1, 1], [], []>, transpose_lhs_hint = false} : vector<256x128xf32>, vector<128x384xf32>, vector<256x384xf32> -> vector<256x384xf32>
    %get3A_55 = arith.constant 0 : index
    %get3A_56 = vector.load %arg12[%get3A_55] : memref<384xf32, #tpu.memory_space<vmem>>, vector<384xf32>
    %broadcast_in_dim3A_57 = vector.shape_cast %get3A_56 : vector<384xf32> to vector<1x384xf32>
    %add3A_58 = vector.broadcast %broadcast_in_dim3A_57 : vector<1x384xf32> to vector<256x384xf32>
    %add3A_59 = arith.addf %dot_general3A_54, %add3A_58 : vector<256x384xf32>
    %mul3A_60 = arith.mulf %mul3A_41, %add3A_59 : vector<256x384xf32>
    %slice3A_61 = vector.extract_strided_slice %mul3A_60 {offsets = [0, 0], sizes = [256, 128], strides = [1, 1]} : vector<256x384xf32> to vector<256x128xf32>
    %slice3A_62 = vector.extract_strided_slice %mul3A_60 {offsets = [0, 128], sizes = [256, 128], strides = [1, 1]} : vector<256x384xf32> to vector<256x128xf32>
    %slice3A_63 = vector.extract_strided_slice %mul3A_60 {offsets = [0, 256], sizes = [256, 128], strides = [1, 1]} : vector<256x384xf32> to vector<256x128xf32>
    %get3A_64 = arith.constant 0 : index
    %get3A_65 = vector.load %arg4[%get3A_64] : memref<256xf32, #tpu.memory_space<vmem>>, vector<256xf32>
    %broadcast_in_dim3A_66 = vector.shape_cast %get3A_65 : vector<256xf32> to vector<256x1xf32>
    %mul3A_67 = vector.broadcast %broadcast_in_dim3A_66 : vector<256x1xf32> to vector<256x128xf32>
    %mul3A_68 = arith.mulf %slice3A_62, %mul3A_67 : vector<256x128xf32>
    %get3A_69 = arith.constant 0 : index
    %get3A_70 = vector.load %arg5[%get3A_69] : memref<256xf32, #tpu.memory_space<vmem>>, vector<256xf32>
    %broadcast_in_dim3A_71 = vector.shape_cast %get3A_70 : vector<256xf32> to vector<256x1xf32>
    %mul3A_72 = vector.broadcast %broadcast_in_dim3A_71 : vector<256x1xf32> to vector<256x128xf32>
    %mul3A_73 = arith.mulf %slice3A_62, %mul3A_72 : vector<256x128xf32>
    %get3A_74 = arith.constant 0 : index
    %get3A_75 = vector.load %arg6[%get3A_74] : memref<256xf32, #tpu.memory_space<vmem>>, vector<256xf32>
    %broadcast_in_dim3A_76 = vector.shape_cast %get3A_75 : vector<256xf32> to vector<256x1xf32>
    %mul3A_77 = vector.broadcast %broadcast_in_dim3A_76 : vector<256x1xf32> to vector<256x128xf32>
    %mul3A_78 = arith.mulf %slice3A_62, %mul3A_77 : vector<256x128xf32>
    %slice3A_79 = vector.extract_strided_slice %bitcast_convert_type3A {offsets = [0, 128], sizes = [256, 128], strides = [1, 1]} : vector<256x256xf32> to vector<256x128xf32>
    %mul3A_80 = arith.mulf %slice3A_63, %slice3A_79 : vector<256x128xf32>
    %add3A_81 = arith.addf %mul3A_68, %mul3A_80 : vector<256x128xf32>
    %slice3A_82 = vector.extract_strided_slice %bitcast_convert_type3A_49 {offsets = [0, 0], sizes = [256, 128], strides = [1, 1]} : vector<256x256xf32> to vector<256x128xf32>
    %mul3A_83 = arith.mulf %slice3A_63, %slice3A_82 : vector<256x128xf32>
    %add3A_84 = arith.addf %mul3A_73, %mul3A_83 : vector<256x128xf32>
    %slice3A_85 = vector.extract_strided_slice %bitcast_convert_type3A_49 {offsets = [0, 128], sizes = [256, 128], strides = [1, 1]} : vector<256x256xf32> to vector<256x128xf32>
    %mul3A_86 = arith.mulf %slice3A_63, %slice3A_85 : vector<256x128xf32>
    %add3A_87 = arith.addf %mul3A_78, %mul3A_86 : vector<256x128xf32>
    %concatenate3A = tpu.concatenate %slice3A_61, %add3A_81, %add3A_84, %add3A_87 in 1 : vector<256x128xf32>, vector<256x128xf32>, vector<256x128xf32>, vector<256x128xf32> -> vector<256x512xf32>
    %get3A_88 = arith.index_cast %arg0 : i32 to index
    %get3A_89 = memref.load %arg1[%get3A_88] : memref<2048xi32, #tpu.memory_space<smem>>
    %multiple_of3A = tpu.assume_multiple %get3A_89, 8 : i32
    %get3A_90 = arith.constant 0 : index
    %get3A_91 = vector.load %arg7[%get3A_90] : memref<256xi32, #tpu.memory_space<vmem>>, vector<256xi32>
    %sub3A_92 = vector.broadcast %multiple_of3A : i32 to vector<256xi32>
    %sub3A_93 = arith.subi %get3A_91, %sub3A_92 : vector<256xi32>
    %iota3A_94 = tpu.iota {dimensions = array<i32: 0>} : vector<512x256xi32>
    %broadcast_in_dim3A_95 = vector.shape_cast %sub3A_93 : vector<256xi32> to vector<1x256xi32>
    %eq3A_96 = vector.broadcast %broadcast_in_dim3A_95 : vector<1x256xi32> to vector<512x256xi32>
    %eq3A_97 = arith.cmpi eq, %iota3A_94, %eq3A_96 : vector<512x256xi32>
    %convert_element_type3A_98 = arith.extui %eq3A_97 : vector<512x256xi1> to vector<512x256xi32>
    %convert_element_type3A_99 = arith.sitofp %convert_element_type3A_98 : vector<512x256xi32> to vector<512x256xf32>
    %dot_general3A_100 = arith.constant dense<0.000000e+00> : vector<512x512xf32>
    %dot_general3A_101 = tpu.matmul %convert_element_type3A_99, %concatenate3A, %dot_general3A_100 {dimension_numbers = #tpu.dot_dimension_numbers<[1], [0], [0], [1], [0, 0, 1, 1], [], []>, transpose_lhs_hint = false} : vector<512x256xf32>, vector<256x512xf32>, vector<512x512xf32> -> vector<512x512xf32>
    %get3A_102 = arith.index_cast %multiple_of3A : i32 to index
    %get3A_103 = arith.constant 0 : index
    %get3A_104 = vector.load %arg13[%get3A_102, %get3A_103] : memref<10240x512xf32, #tpu.memory_space<vmem>>, vector<512x512xf32>
    %add3A_105 = arith.addf %get3A_104, %dot_general3A_101 : vector<512x512xf32>
    %swap3A = arith.index_cast %multiple_of3A : i32 to index
    %swap3A_106 = arith.constant 0 : index
    %swap3A_107 = vector.load %arg13[%swap3A, %swap3A_106] : memref<10240x512xf32, #tpu.memory_space<vmem>>, vector<512x512xf32>
    tpu.vector_store %arg13[%swap3A, %swap3A_106], %add3A_105 {strides = array<i32>} : memref<10240x512xf32, #tpu.memory_space<vmem>>, vector<512x512xf32>,
    return
  }
  func.func @transform_0(%arg0: i32) -> i32 {
    %c0_i32 = arith.constant 0 : i32
    %c0_i32_0 = arith.constant 0 : i32
    return %c0_i32 : i32
  }
  func.func @transform_1(%arg0: i32) -> i32 {
    %c0_i32 = arith.constant 0 : i32
    return %arg0 : i32
  }
  func.func @transform_2(%arg0: i32) -> i32 {
    %c0_i32 = arith.constant 0 : i32
    return %arg0 : i32
  }
  func.func @transform_3(%arg0: i32) -> i32 {
    %c0_i32 = arith.constant 0 : i32
    return %arg0 : i32
  }
  func.func @transform_4(%arg0: i32) -> i32 {
    %c0_i32 = arith.constant 0 : i32
    return %arg0 : i32
  }
  func.func @transform_5(%arg0: i32) -> i32 {
    %c0_i32 = arith.constant 0 : i32
    return %arg0 : i32
  }
  func.func @transform_6(%arg0: i32) -> i32 {
    %c0_i32 = arith.constant 0 : i32
    return %arg0 : i32
  }
  func.func @transform_7(%arg0: i32) -> (i32, i32) {
    %c0_i32 = arith.constant 0 : i32
    %c0_i32_0 = arith.constant 0 : i32
    return %arg0, %c0_i32 : i32, i32
  }
  func.func @transform_8(%arg0: i32) -> (i32, i32) {
    %c0_i32 = arith.constant 0 : i32
    %c0_i32_0 = arith.constant 0 : i32
    %c0_i32_1 = arith.constant 0 : i32
    return %c0_i32, %c0_i32_0 : i32, i32
  }
  func.func @transform_9(%arg0: i32) -> i32 {
    %c0_i32 = arith.constant 0 : i32
    %c0_i32_0 = arith.constant 0 : i32
    return %c0_i32 : i32
  }
  func.func @transform_10(%arg0: i32) -> (i32, i32) {
    %c0_i32 = arith.constant 0 : i32
    %c0_i32_0 = arith.constant 0 : i32
    %c0_i32_1 = arith.constant 0 : i32
    return %c0_i32, %c0_i32_0 : i32, i32
  }
  func.func @transform_11(%arg0: i32) -> i32 {
    %c0_i32 = arith.constant 0 : i32
    %c0_i32_0 = arith.constant 0 : i32
    return %c0_i32 : i32
  }
  func.func @transform_12(%arg0: i32) -> (i32, i32) {
    %c0_i32 = arith.constant 0 : i32
    %c0_i32_0 = arith.constant 0 : i32
    %c0_i32_1 = arith.constant 0 : i32
    return %c0_i32, %c0_i32_0 : i32, i32
  }
}

</mosaic_0001>

<sc_bundles>
// kernel: kernel.11.cloned.1.call-start
scs
__scs_entry_jumppad:
0x0: {  	(pc) =	sbr.rel $0x88, $3  }
0x1: {  	(tag) =	ssettag $0x0;
	lr =	simm.s32 $0x1  }
0x2: {  	[smem:$0x3F93] =	sst lr;
	_ =	strace $0xD0000000  }
0x3: {  	_ = 	snop  }
0x4: {  	_ = 	snop  }
0x5: {  	_ = 	snop  }
0x6: {  	_ = 	snop  }
0x7: {  	_ = 	snop  }
__scs_overlays_trampoline_lowered:
0x8: {  	[smem:$0x3FA2] =	sst s0  }
0x9: {  	[smem:$0x3FA3] =	sst s1  }
0xa: {  	[smem:$0x3FA4] =	sst s2  }
0xb: {  	[smem:$0x3FA5] =	sst s3  }
0xc: {  	[smem:$0x3FA6] =	sst s4  }
0xd: {  	[smem:$0x3FA7] =	sst s5  }
0xe: {  	[smem:$0x3FA8] =	sst s6  }
0xf: {  	[smem:$0x3FA9] =	sst s7  }
0x10: {  	[smem:$0x3FAA] =	sst s8  }
0x11: {  	[smem:$0x3FAB] =	sst s9;
	s0 =	simm.s32 @!p0 $0x0  }
0x12: {  	s1 =	sld [smem:$0x3F91];
	s0 =	simm.s32 @p0 $0x1  }
0x13: {  	[smem:$0x3FAC] =	sst s0;
	s0 =	simm.s32 @!p1 $0x0  }
0x14: {  	s2 =	sld [smem:$0x3F90];
	s0 =	simm.s32 @p1 $0x1  }
0x15: {  	[smem:$0x3FAD] =	sst s0;
	s0 =	simm.s32 @!p2 $0x0  }
0x16: {  	s3 =	sld [smem:$0x3FDB];
	s0 =	simm.s32 @p2 $0x1  }
0x17: {  	s4 =	simm.s32 $0x1BF5;
	[smem:$0x3FAF] =	sst s0  }
0x18: {  	s0 =	sld [smem:$0x3F92];
	_ =	swait.ge [sflag:s4], $0x0  }
0x19: {  	s7 =	sld [smem:$0x3F93]  }
0x1a: {  	s8 =	sadd.s32 $0xFFFFE003, lr  }
0x1b: {  	s9 =	sadd.s32 $0xFFFFFEF7, lr;
	s5 =	simm.s32 $0xFFFFFFFF;
	p2 =	slt.u32 s8, $0xFFFFF086  }
0x1c: {  	p1 =	slt.u32 s9, $0xF7A;
	s5 =	simm.s32 @!p2 $0x0  }
0x1d: {  	s5 =	simm.s32 @p1 $0x1;
	p0 =	seq.s32 s7, s2  }
0x1e: {  	s7 =	smul.u32 @!p0 $0xF7A, s2;
	p2 =	seq.s32 @!p0 s5, $0x0  }
0x1f: {  	s9 =	smul.u32 $0xF7A, s1;
	s8 =	simm.s32 @!p0 $0x1BF5;
	p2 =	por !p2, p0  }
0x20: {  	[sflag:s8] =	ssyncset.s32 @!p0 $0xFFFFF086;
	s6 =	sadd.s32 @!p0 s3, s7;
	s7 =	simm.s32 @!p0 $0x108  }
0x21: {  	s3 =	sadd.s32 s3, s9;
	s6 =	sadd.s32 @!p0 $0x88, s6;
	s7 =	simm.s32 @p2 $0x1082  }
0x22: {  	[simem:s7], [sflag:s8] =	dma.local @!p0 [hbm:s6], $0xF7A  }
0x23: {  	s9 =	sor.u32 $0xD0000000, s2;
	s6 =	simm.s32 $0x108;
	_ =	swait.ge @!p0 [sflag:s8], $0x0  }
0x24: {  	s3 =	sadd.s32 $0x88, s3;
	s6 =	simm.s32 @!p1 $0x1082;
	[sflag:s4] =	ssyncset.s32 $0xFFFFF086  }
0x25: {  	[simem:s6], [sflag:s4] =	dma.local [hbm:s3], $0xF7A  }
0x26: {  	[smem:$0x3F93] =	sst s1;
	(tag) =	ssettag s2;
	_ =	strace s9  }
0x27: {  	s1 =	sld [smem:$0x3FA3]  }
0x28: {  	s2 =	sld [smem:$0x3FA4]  }
0x29: {  	s4 =	sld [smem:$0x3FA6]  }
0x2a: {  	p0 =	seq.s32 s5, $0x0;
	s5 =	sld [smem:$0x3FA7]  }
0x2b: {  	s6 =	sld [smem:$0x3FA8]  }
0x2c: {  	s7 =	sld [smem:$0x3FA9]  }
0x2d: {  	s3 =	simm.s32 $0x108;
	s8 =	sld [smem:$0x3FAA]  }
0x2e: {  	s3 =	simm.s32 @!p0 $0x1082;
	s9 =	sld [smem:$0x3FAB]  }
0x2f: {  	lr =	sadd.s32 s0, s3;
	s0 =	sld [smem:$0x3FA2]  }
0x30: {  	s3 =	sld [smem:$0x3FA5]  }
0x31: {  	[smem:$0x3FAE] =	sst s10  }
0x32: {  	s10 =	sld [smem:$0x3FAC];
	_ =	sdelay $0x3  }
0x33: {  	p0 =	seq.s32 s10, $0x1;
	s10 =	sld [smem:$0x3FAE];
	_ =	sdelay $0x3  }
0x34: {  	[smem:$0x3FAE] =	sst s10  }
0x35: {  	s10 =	sld [smem:$0x3FAD];
	_ =	sdelay $0x3  }
0x36: {  	p1 =	seq.s32 s10, $0x1;
	s10 =	sld [smem:$0x3FAE];
	_ =	sdelay $0x3  }
0x37: {  	[smem:$0x3FAE] =	sst s10  }
0x38: {  	s10 =	sld [smem:$0x3FAF]  }
0x39: {  	_ = 	snop;
	(pc) =	sbr.ind lr, $3  }
0x3a: {  	_ = 	snop  }
0x3b: {  	_ = 	snop  }
0x3c: {  	p2 =	seq.s32 s10, $0x1;
	s10 =	sld [smem:$0x3FAE]  }
0x3d: {  	_ =	shalt  }
0x3e: {  	_ =	shalt  }
0x3f: {  	_ =	shalt  }
0x40: {  	_ =	shalt  }
0x41: {  	_ =	shalt  }
0x42: {  	_ =	shalt  }
0x43: {  	_ =	shalt  }
0x44: {  	_ =	shalt  }
0x45: {  	_ =	shalt  }
0x46: {  	_ =	shalt  }
0x47: {  	_ =	shalt  }
0x48: {  	_ =	shalt  }
0x49: {  	_ =	shalt  }
0x4a: {  	_ =	shalt  }
0x4b: {  	_ =	shalt  }
0x4c: {  	_ =	shalt  }
0x4d: {  	_ =	shalt  }
0x4e: {  	_ =	shalt  }
0x4f: {  	_ =	shalt  }
0x50: {  	_ =	shalt  }
0x51: {  	_ =	shalt  }
0x52: {  	_ =	shalt  }
0x53: {  	_ =	shalt  }
0x54: {  	_ =	shalt  }
0x55: {  	_ =	shalt  }
0x56: {  	_ =	shalt  }
0x57: {  	_ =	shalt  }
0x58: {  	_ =	shalt  }
0x59: {  	_ =	shalt  }
0x5a: {  	_ =	shalt  }
0x5b: {  	_ =	shalt  }
0x5c: {  	_ =	shalt  }
0x5d: {  	_ =	shalt  }
0x5e: {  	_ =	shalt  }
0x5f: {  	_ =	shalt  }
0x60: {  	_ =	shalt  }
0x61: {  	_ =	shalt  }
0x62: {  	_ =	shalt  }
0x63: {  	_ =	shalt  }
0x64: {  	_ =	shalt  }
0x65: {  	_ =	shalt  }
0x66: {  	_ =	shalt  }
0x67: {  	_ =	shalt  }
0x68: {  	_ =	shalt  }
0x69: {  	_ =	shalt  }
0x6a: {  	_ =	shalt  }
0x6b: {  	_ =	shalt  }
0x6c: {  	_ =	shalt  }
0x6d: {  	_ =	shalt  }
0x6e: {  	_ =	shalt  }
0x6f: {  	_ =	shalt  }
0x70: {  	_ =	shalt  }
0x71: {  	_ =	shalt  }
0x72: {  	_ =	shalt  }
0x73: {  	_ =	shalt  }
0x74: {  	_ =	shalt  }
0x75: {  	_ =	shalt  }
0x76: {  	_ =	shalt  }
0x77: {  	_ =	shalt  }
0x78: {  	_ =	shalt  }
0x79: {  	_ =	shalt  }
0x7a: {  	_ =	shalt  }
0x7b: {  	_ =	shalt  }
0x7c: {  	_ =	shalt  }
0x7d: {  	_ =	shalt  }
0x7e: {  	_ =	shalt  }
0x7f: {  	_ =	shalt  }
0x80: {  	_ =	shalt  }
0x81: {  	_ =	shalt  }
0x82: {  	_ =	shalt  }
0x83: {  	_ =	shalt  }
0x84: {  	_ =	shalt  }
0x85: {  	_ =	shalt  }
0x86: {  	_ =	shalt  }
0x87: {  	_ =	shalt  }
.Lfunc_end0:
.L_simem_size_0:
called_computation.4_lowered:
.L_overlay_start_0:
0x88: {  	s2 =	sld [smem:$0x3FD9]  }
0x89: {  	s3 =	sld [smem:$0x3FFE];
	_ =	sdelay $0x1  }
0x8a: {  	s1 =	srdreg.scid  }
0x8b: {  	s0 =	sand.u32 $0x1, s1  }
0x8c: {  	s16 =	sshll.u32 s0, $0xA;
	s2 =	sadd.s32 s3, s2  }
0x8d: {  	s2 =	sadd.s32 s2, s16  }
0x8e: {  	[smem:$0x3FBA] =	sst s2  }
0x8f: {  	_ = 	snop  }
0x90: {  	(tm) =	ssettm $0x1  }
0x91: {  	s17 =	sld [smem:$0x3FFB];
	_ =	sdelay $0x3  }
0x92: {  	_ =	strace s17  }
0x93: {  	s2 =	sld [smem:$0x3FFC];
	_ =	sdelay $0x3  }
0x94: {  	_ =	strace s2  }
0x95: {  	s2 =	sld [smem:$0x3FFD];
	_ =	sdelay $0x3  }
0x96: {  	_ =	strace s2  }
0x97: {  	_ =	strace $0x8FFFFFFF  }
0x98: {  	s18 =	sld [smem:$0x3FDB];
	_ =	sdelay $0x1  }
0x99: {  	s19 =	simm.s32 $_scs_section_size  }
0x9a: {  	s4 =	simm.s32 $_size__tile_overlayer_lowered;
	s5 =	simm.s32 $_tile_overlayer_lowered  }
0x9b: {  	s22 =	simm.s32 $0x1BFF;
	s21 =	sshll.u32 s5, $0x1;
	s2 =	sadd.s32 s19, s18  }
0x9c: {  	s6 =	simm.s32 $0x0;
	s20 =	sshll.u32 s4, $0x1;
	s4 =	sadd.s32 s21, s2  }
0x9d: {  	[timem:s6], [sflag:s22] =	dma.local [hbm:s4], s20  }
0x9e: {  	_ =	swait.ge [sflag:s22], s20  }
0x9f: {  	s3 =	ssub.s32 $0x0, s20;
	[sflag:s22] =	ssyncset.done $0x0  }
0xa0: {  	[sflag:s22] =	ssyncadd.s32 s3;
	_ =	sdelay $0x1  }
0xa1: {  	s23 =	simm.s32 $0x1B8B  }
0xa2: {  	_ =	swait.ge [sflag:s23], $0x1  }
0xa3: {  	[sflag:s23] =	ssyncset.done $0x0  }
0xa4: {  	s25 =	simm.s32 $0x1B8E;
	s24 =	sld [smem:$0x3FFE];
	[sflag:s23] =	ssyncadd.s32 $0xFFFFFFFF  }
0xa5: {  	s26 =	simm.s32 $execute0_lowered;
	[smem:$0x3FD2] =	sst s25  }
0xa6: {  	s4 =	sshll.u32 s26, $0x1;
	_ =	strace $0x80000052;
	[dreg:$0x1] =	wrdreg $0xFFFFFFFF  }
0xa7: {  	s28 =	simm.s32 $_size_execute0_lowered;
	s2 =	sadd.s32 s2, s4;
	[dreg:$0x0] =	wrdreg $0x0  }
0xa8: {  	s4 =	sshll.u32 s28, $0x1;
	[dreg:$0x2] =	wrdreg s2  }
0xa9: {  	[dreg:$0x3] =	wrdreg s4  }
0xaa: {  	[dreg:$0x4] =	wrdreg $0xC0  }
0xab: {  	_ =	task [dreg:s6], $0x5FFFF  }
0xac: {  	[dreg:$0x1] =	wrdreg $0xFFFFFFFF  }
0xad: {  	[dreg:$0x0] =	wrdreg $0x60  }
0xae: {  	[dreg:$0x2] =	wrdreg s24  }
0xaf: {  	[dreg:$0x3] =	wrdreg $0x9  }
0xb0: {  	_ =	task.clear_ibuf [dreg:s6], $0x4FFFF;
	_ =	strace $0x90000052  }
0xb1: {  	s29 =	simm.s32 $0x9;
	_ =	strace $0x80000054  }
0xb2: {  	_ =	swait.ge [sflag:s29], $0x1  }
0xb3: {  	[sflag:s29] =	ssyncadd.s32 $0xFFFFFFFF  }
0xb4: {  	_ =	strace $0x90000054  }
0xb5: {  	_ =	sfence  }
0xb6: {  	s30 =	sld [smem:$0x0];
	_ =	sdelay $0x2  }
0xb7: {  	s31 =	sshll.u32 s1, $0xD;
	s1 =	sshrl.u32 s1, $0x2  }
0xb8: {  	s3 =	sand.u32 $0x4000, s31;
	s1 =	sadd.s32 s1, s30  }
0xb9: {  	s0 =	sor.u32 s3, s0;
	s1 =	sshll.u32 s1, $0x11  }
0xba: {  	s0 =	sor.u32 s1, s0  }
0xbb: {  	s0 =	sadd.s32 $0x8F2B, s0  }
0xbc: {  	[sflag:s0] =	ssyncadd.remote.s32 $0x1  }
0xbd: {  	_ =	sfence.sel $0xFFFF  }
0xbe: {  	[dreg:$0x0] =	wrdreg $0xFFFFFFFF;
	(pc) =	sbr.abs _section_cstart, $3  }
0xbf: {  	[dreg:$0x1] =	wrdreg $0xFFFFFFFF  }
0xc0: {  	_ =	task.clear_ibuf [dreg:s6], $0x2FFFF;
	_ =	strace $0x9FFFFFFF  }
0xc1: {  	(tm) =	ssettm $0x7FFFFFFF  }
tec
execute0_lowered:
.L_overlay_start_1:
0x0: {  	(tag) =	ssettag $0x1  }
0x1: {  	s0 =	rddreg [dreg:$0x0];
	s2 =	srdreg.scid  }
0x2: {  	s1 =	stileid.u32;
	s10 =	simm.s32 $0x5000;
	s11 =	simm.s32 $0x5800  }
0x3: {  	s12 =	simm.s32 $0x6000;
	s13 =	simm.s32 $0x6800;
	s14 =	simm.s32 $0x7000  }
0x4: {  	s15 =	simm.s32 $0x7800;
	s16 =	simm.s32 $0x1;
	s17 =	simm.s32 $0x8000  }
0x5: {  	s18 =	simm.s32 $0x8800;
	s19 =	simm.s32 $0x9000;
	s20 =	simm.s32 $0x9800  }
0x6: {  	s21 =	simm.s32 $0xA000;
	s22 =	simm.s32 $0xA800;
	s23 =	simm.s32 $0xB000  }
0x7: {  	s24 =	simm.s32 $0xB800;
	s25 =	simm.s32 $0x3;
	s26 =	simm.s32 $0x2  }
0x8: {  	s28 =	simm.s32 $0x4;
	s29 =	simm.s32 $0x0;
	s4 =	sand.u32 $0x1, s2  }
0x9: {  	s2 =	simm.s32 $0x0;
	s3 =	sshll.u32 s1, $0xF;
	s6 =	sshll.u32 s1, $0x14  }
0xa: {  	s5 =	sshll.u32 s4, $0xE;
	[smem:$0x7FF] =	sst s2;
	s7 =	ssub.s32 $0x2, s4  }
0xb: {  	s8 =	sshll.u32 s4, $0x13;
	s5 =	sor.u32 s5, s3;
	_ =	strace $0x80000053  }
0xc: {  	s3 =	sadd.s32 $0x8D1E00, s0;
	s31 =	sshrl.u32 s7, $0x1;
	s5 =	sshrl.u32 s5, $0x3  }
0xd: {  	v2 =	vlaneseq.u32;
	s5 =	sadd.s32 s5, s0;
	s0 =	sadd.s32 s6, s0;
	s6 =	ssub.s32 s7, s31  }
0xe: {  	vm0 =	vmmov $0xffff;
	v1 =	vshrl.u32 v2, $0x3;
	s7 =	simm.s32 $0x5;
	s4 =	sadd.s32 $0x6200, s5;
	s0 =	sadd.s32 s8, s0  }
0xf: {  	v0 =	vand.u32 $0x7, v2;
	v2 =	vor.u32 $0x8, v2;
	v1 =	vmul.u32 $0x8, v1;
	s5 =	smax.u32 s6, $0x1;
	s8 =	simm.s32 $0x4000;
	s6 =	sadd.s32 $0xC10200, s0  }
.LBB2_1:
0x10: {  	[tilespmem:s2], [sflag:$0x5] =	stream.linear.gather [hbm4b:s4+s2], $0x4000, $0x38;
	[tilespmem:$0xC000] =	vst v63  }
0x11: {  	_ =	swait.ge [sflag:s7], $0x4000  }
0x12: {  	[sflag:s7] =	ssyncset.done $0x0  }
0x13: {  	[sflag:s7] =	ssyncadd.s32 $0xFFFFC000  }
0x14: {  	v3 =	vld [tilespmem:$0x0];
	_ =	sdelay $0x4  }
0x15: {  	v4 =	vshll.u32 v3, $0x1  }
0x16: {  	v3 =	vand.u32 $0x7, v3;
	v4 =	vand.u32 $0xFFFFFFF0, v4  }
0x17: {  	v3 =	vor.u32 v3, v4  }
0x18: {  	v4 =	vperm.xlane v3, v0;
	_ =	sdelay $0x1  }
0x19: {  	v3 =	vperm.xlane v3, v2;
	v4 =	vadd.s32 v1, v4;
	_ =	sdelay $0x1  }
0x1a: {  	v3 =	vadd.s32 v1, v3;
	_ =	sdelay $0x2  }
0x1b: {  	[tilespmem:s8], [sflag:$0x1] =	stream.indirect_vreg.gather [hbm4b:s3+s2], $0x80, v4, vm0, $0xb8;
	[tilespmem:$0xC000] =	vst v63  }
0x1c: {  	s0 =	simm.s32 $0x4800  }
0x1d: {  	[tilespmem:s0], [sflag:$0x1] =	stream.indirect_vreg.gather [hbm4b:s3+s2], $0x80, v3, vm0, $0xb8;
	[tilespmem:$0xC000] =	vst v63  }
0x1e: {  	v3 =	vld [tilespmem:$0x10];
	_ =	sdelay $0x4  }
0x1f: {  	v61 =	vshll.u32 v3, $0x1  }
0x20: {  	v3 =	vand.u32 $0x7, v3;
	v4 =	vand.u32 $0xFFFFFFF0, v61  }
0x21: {  	v3 =	vor.u32 v3, v4  }
0x22: {  	v4 =	vperm.xlane v3, v0;
	_ =	sdelay $0x1  }
0x23: {  	v3 =	vperm.xlane v3, v2;
	v4 =	vadd.s32 v1, v4;
	_ =	sdelay $0x1  }
0x24: {  	v3 =	vadd.s32 v1, v3;
	_ =	sdelay $0x2  }
0x25: {  	[tilespmem:s10], [sflag:$0x1] =	stream.indirect_vreg.gather [hbm4b:s3+s2], $0x80, v4, vm0, $0xb8;
	[tilespmem:$0xC000] =	vst v63  }
0x26: {  	_ = 	snop  }
0x27: {  	[tilespmem:s11], [sflag:$0x1] =	stream.indirect_vreg.gather [hbm4b:s3+s2], $0x80, v3, vm0, $0xb8;
	[tilespmem:$0xC000] =	vst v63  }
0x28: {  	v3 =	vld [tilespmem:$0x20];
	_ =	sdelay $0x4  }
0x29: {  	v62 =	vshll.u32 v3, $0x1  }
0x2a: {  	v3 =	vand.u32 $0x7, v3;
	v4 =	vand.u32 $0xFFFFFFF0, v62  }
0x2b: {  	v3 =	vor.u32 v3, v4  }
0x2c: {  	v4 =	vperm.xlane v3, v0;
	_ =	sdelay $0x1  }
0x2d: {  	v3 =	vperm.xlane v3, v2;
	v4 =	vadd.s32 v1, v4;
	_ =	sdelay $0x1  }
0x2e: {  	v3 =	vadd.s32 v1, v3;
	_ =	sdelay $0x2  }
0x2f: {  	[tilespmem:s12], [sflag:$0x1] =	stream.indirect_vreg.gather [hbm4b:s3+s2], $0x80, v4, vm0, $0xb8;
	[tilespmem:$0xC000] =	vst v63  }
0x30: {  	_ = 	snop  }
0x31: {  	[tilespmem:s13], [sflag:$0x1] =	stream.indirect_vreg.gather [hbm4b:s3+s2], $0x80, v3, vm0, $0xb8;
	[tilespmem:$0xC000] =	vst v63  }
0x32: {  	v3 =	vld [tilespmem:$0x30];
	_ =	sdelay $0x4  }
0x33: {  	v63 =	vshll.u32 v3, $0x1  }
0x34: {  	v3 =	vand.u32 $0x7, v3;
	v4 =	vand.u32 $0xFFFFFFF0, v63  }
0x35: {  	v3 =	vor.u32 v3, v4  }
0x36: {  	v4 =	vperm.xlane v3, v0;
	_ =	sdelay $0x1  }
0x37: {  	v3 =	vperm.xlane v3, v2;
	v4 =	vadd.s32 v1, v4;
	_ =	sdelay $0x1  }
0x38: {  	v3 =	vadd.s32 v1, v3;
	_ =	sdelay $0x2  }
0x39: {  	[tilespmem:s14], [sflag:$0x1] =	stream.indirect_vreg.gather [hbm4b:s3+s2], $0x80, v4, vm0, $0xb8;
	[tilespmem:$0xC000] =	vst v63  }
0x3a: {  	s30 =	simm.s32 $0x60;
	s31 =	simm.s32 $0x0  }
0x3b: {  	[tilespmem:s15], [sflag:$0x1] =	stream.indirect_vreg.gather [hbm4b:s3+s2], $0x80, v3, vm0, $0xb8;
	[tilespmem:$0xC000] =	vst v63  }
.LBB2_2:
0x3c: {  	_ =	swait.ge [sflag:s16], $0x4000  }
0x3d: {  	[sflag:s16] =	ssyncset.done $0x0  }
0x3e: {  	[sflag:s16] =	ssyncadd.s32 $0xFFFFC000  }
0x3f: {  	v3 =	vld [tilespmem:s30+$0xFFFFFFE0];
	_ =	sdelay $0x4  }
0x40: {  	v4 =	vshll.u32 v3, $0x1  }
0x41: {  	v3 =	vand.u32 $0x7, v3;
	v4 =	vand.u32 $0xFFFFFFF0, v4  }
0x42: {  	v3 =	vor.u32 v3, v4  }
0x43: {  	v4 =	vperm.xlane v3, v0;
	_ =	sdelay $0x1  }
0x44: {  	v3 =	vperm.xlane v3, v2;
	v4 =	vadd.s32 v1, v4;
	_ =	sdelay $0x1  }
0x45: {  	v3 =	vadd.s32 v1, v3;
	_ =	sdelay $0x2  }
0x46: {  	[tilespmem:s17], [sflag:$0x2] =	stream.indirect_vreg.gather [hbm4b:s3+s2], $0x80, v4, vm0, $0xb8;
	[tilespmem:$0xC000] =	vst v63  }
0x47: {  	_ = 	snop  }
0x48: {  	[tilespmem:s18], [sflag:$0x2] =	stream.indirect_vreg.gather [hbm4b:s3+s2], $0x80, v3, vm0, $0xb8;
	[tilespmem:$0xC000] =	vst v63  }
0x49: {  	v3 =	vld [tilespmem:s30+$0xFFFFFFF0];
	_ =	sdelay $0x4  }
0x4a: {  	v61 =	vshll.u32 v3, $0x1  }
0x4b: {  	v3 =	vand.u32 $0x7, v3;
	v4 =	vand.u32 $0xFFFFFFF0, v61  }
0x4c: {  	v3 =	vor.u32 v3, v4  }
0x4d: {  	v4 =	vperm.xlane v3, v0;
	_ =	sdelay $0x1  }
0x4e: {  	v3 =	vperm.xlane v3, v2;
	v4 =	vadd.s32 v1, v4;
	_ =	sdelay $0x1  }
0x4f: {  	v3 =	vadd.s32 v1, v3;
	_ =	sdelay $0x2  }
0x50: {  	[tilespmem:s19], [sflag:$0x2] =	stream.indirect_vreg.gather [hbm4b:s3+s2], $0x80, v4, vm0, $0xb8;
	[tilespmem:$0xC000] =	vst v63  }
0x51: {  	_ = 	snop  }
0x52: {  	[tilespmem:s20], [sflag:$0x2] =	stream.indirect_vreg.gather [hbm4b:s3+s2], $0x80, v3, vm0, $0xb8;
	[tilespmem:$0xC000] =	vst v63  }
0x53: {  	v3 =	vld [tilespmem:s30+$0x0];
	_ =	sdelay $0x4  }
0x54: {  	v62 =	vshll.u32 v3, $0x1  }
0x55: {  	v3 =	vand.u32 $0x7, v3;
	v4 =	vand.u32 $0xFFFFFFF0, v62  }
0x56: {  	v3 =	vor.u32 v3, v4  }
0x57: {  	v4 =	vperm.xlane v3, v0;
	_ =	sdelay $0x1  }
0x58: {  	v3 =	vperm.xlane v3, v2;
	v4 =	vadd.s32 v1, v4;
	_ =	sdelay $0x1  }
0x59: {  	v3 =	vadd.s32 v1, v3;
	_ =	sdelay $0x2  }
0x5a: {  	[tilespmem:s21], [sflag:$0x2] =	stream.indirect_vreg.gather [hbm4b:s3+s2], $0x80, v4, vm0, $0xb8;
	[tilespmem:$0xC000] =	vst v63  }
0x5b: {  	_ = 	snop  }
0x5c: {  	[tilespmem:s22], [sflag:$0x2] =	stream.indirect_vreg.gather [hbm4b:s3+s2], $0x80, v3, vm0, $0xb8;
	[tilespmem:$0xC000] =	vst v63  }
0x5d: {  	v3 =	vld [tilespmem:s30+$0x10];
	_ =	sdelay $0x4  }
0x5e: {  	v63 =	vshll.u32 v3, $0x1  }
0x5f: {  	v3 =	vand.u32 $0x7, v3;
	v4 =	vand.u32 $0xFFFFFFF0, v63  }
0x60: {  	v3 =	vor.u32 v3, v4  }
0x61: {  	v4 =	vperm.xlane v3, v0;
	_ =	sdelay $0x1  }
0x62: {  	v3 =	vperm.xlane v3, v2;
	v4 =	vadd.s32 v1, v4;
	_ =	sdelay $0x1  }
0x63: {  	v3 =	vadd.s32 v1, v3;
	_ =	sdelay $0x2  }
0x64: {  	[tilespmem:s23], [sflag:$0x2] =	stream.indirect_vreg.gather [hbm4b:s3+s2], $0x80, v4, vm0, $0xb8;
	[tilespmem:$0xC000] =	vst v63  }
0x65: {  	_ = 	snop  }
0x66: {  	[tilespmem:s24], [sflag:$0x2] =	stream.indirect_vreg.gather [hbm4b:s3+s2], $0x80, v3, vm0, $0xb8;
	[tilespmem:$0xC000] =	vst v63  }
0x67: {  	s0 =	sadd.s32 s31, s6  }
0x68: {  	[hbm4b:s0+s2] =	stream.linear.scatter [tilespmem:s8], [sflag:$0x3], $0x4000, $0x38;
	[tilespmem:$0xC000] =	vst v63  }
0x69: {  	_ =	swait.ge [sflag:s25], $0x4000  }
0x6a: {  	[sflag:s25] =	ssyncset.done $0x0  }
0x6b: {  	p0 =	seq.s32 s31, $0x7F000;
	[sflag:s25] =	ssyncadd.s32 $0xFFFFC000  }
0x6c: {  	v3 =	vld @!p0 [tilespmem:s30+$0x20];
	_ =	sdelay $0x4  }
0x6d: {  	v4 =	vshll.u32 @!p0 v3, $0x1  }
0x6e: {  	v5 =	vlaneseq.u32 @!p0;
	v3 =	vand.u32 @!p0 $0x7, v3;
	v4 =	vand.u32 @!p0 $0xFFFFFFF0, v4  }
0x6f: {  	v6 =	vshrl.u32 @!p0 v5, $0x3;
	v3 =	vor.u32 @!p0 v3, v4;
	v4 =	vand.u32 @!p0 $0x7, v5  }
0x70: {  	v6 =	vmul.u32 @!p0 $0x8, v6;
	v7 =	vperm.xlane @!p0 v3, v4  }
0x71: {  	v5 =	vor.u32 @!p0 $0x8, v5  }
0x72: {  	v3 =	vperm.xlane @!p0 v3, v5;
	v7 =	vadd.s32 @!p0 v6, v7;
	_ =	sdelay $0x1  }
0x73: {  	v3 =	vadd.s32 @!p0 v6, v3;
	_ =	sdelay $0x1  }
0x74: {  	vm1 =	vmmov @!p0 $0xffff;
	s1 =	simm.s32 @!p0 $0x0;
	s9 =	simm.s32 @!p0 $0x4000  }
0x75: {  	[tilespmem:s9], [sflag:$0x1] =	stream.indirect_vreg.gather @!p0 [hbm4b:s3+s1], $0x80, v7, vm1, $0xb8;
	[tilespmem:$0xC000] =	vst v63  }
0x76: {  	s9 =	simm.s32 @!p0 $0x4800  }
0x77: {  	[tilespmem:s9], [sflag:$0x1] =	stream.indirect_vreg.gather @!p0 [hbm4b:s3+s1], $0x80, v3, vm1, $0xb8;
	[tilespmem:$0xC000] =	vst v63  }
0x78: {  	v3 =	vld @!p0 [tilespmem:s30+$0x30];
	_ =	sdelay $0x4  }
0x79: {  	v7 =	vshll.u32 @!p0 v3, $0x1  }
0x7a: {  	v3 =	vand.u32 @!p0 $0x7, v3;
	v7 =	vand.u32 @!p0 $0xFFFFFFF0, v7  }
0x7b: {  	v3 =	vor.u32 @!p0 v3, v7  }
0x7c: {  	v7 =	vperm.xlane @!p0 v3, v4;
	_ =	sdelay $0x1  }
0x7d: {  	v3 =	vperm.xlane @!p0 v3, v5;
	v7 =	vadd.s32 @!p0 v6, v7;
	_ =	sdelay $0x1  }
0x7e: {  	v3 =	vadd.s32 @!p0 v6, v3;
	_ =	sdelay $0x1  }
0x7f: {  	s9 =	simm.s32 @!p0 $0x5000  }
0x80: {  	[tilespmem:s9], [sflag:$0x1] =	stream.indirect_vreg.gather @!p0 [hbm4b:s3+s1], $0x80, v7, vm1, $0xb8;
	[tilespmem:$0xC000] =	vst v63  }
0x81: {  	s9 =	simm.s32 @!p0 $0x5800  }
0x82: {  	[tilespmem:s9], [sflag:$0x1] =	stream.indirect_vreg.gather @!p0 [hbm4b:s3+s1], $0x80, v3, vm1, $0xb8;
	[tilespmem:$0xC000] =	vst v63  }
0x83: {  	v3 =	vld @!p0 [tilespmem:s30+$0x40];
	_ =	sdelay $0x4  }
0x84: {  	v7 =	vshll.u32 @!p0 v3, $0x1  }
0x85: {  	v3 =	vand.u32 @!p0 $0x7, v3;
	v7 =	vand.u32 @!p0 $0xFFFFFFF0, v7  }
0x86: {  	v3 =	vor.u32 @!p0 v3, v7  }
0x87: {  	v7 =	vperm.xlane @!p0 v3, v4;
	_ =	sdelay $0x1  }
0x88: {  	v3 =	vperm.xlane @!p0 v3, v5;
	v7 =	vadd.s32 @!p0 v6, v7;
	_ =	sdelay $0x1  }
0x89: {  	v3 =	vadd.s32 @!p0 v6, v3;
	_ =	sdelay $0x1  }
0x8a: {  	s9 =	simm.s32 @!p0 $0x6000  }
0x8b: {  	[tilespmem:s9], [sflag:$0x1] =	stream.indirect_vreg.gather @!p0 [hbm4b:s3+s1], $0x80, v7, vm1, $0xb8;
	[tilespmem:$0xC000] =	vst v63  }
0x8c: {  	s9 =	simm.s32 @!p0 $0x6800  }
0x8d: {  	[tilespmem:s9], [sflag:$0x1] =	stream.indirect_vreg.gather @!p0 [hbm4b:s3+s1], $0x80, v3, vm1, $0xb8;
	[tilespmem:$0xC000] =	vst v63  }
0x8e: {  	v3 =	vld @!p0 [tilespmem:s30+$0x50];
	_ =	sdelay $0x4  }
0x8f: {  	v7 =	vshll.u32 @!p0 v3, $0x1  }
0x90: {  	v3 =	vand.u32 @!p0 $0x7, v3;
	v7 =	vand.u32 @!p0 $0xFFFFFFF0, v7  }
0x91: {  	v3 =	vor.u32 @!p0 v3, v7  }
0x92: {  	v4 =	vperm.xlane @!p0 v3, v4;
	_ =	sdelay $0x1  }
0x93: {  	v3 =	vperm.xlane @!p0 v3, v5;
	v4 =	vadd.s32 @!p0 v6, v4;
	_ =	sdelay $0x1  }
0x94: {  	v3 =	vadd.s32 @!p0 v6, v3;
	_ =	sdelay $0x1  }
0x95: {  	s9 =	simm.s32 @!p0 $0x7000  }
0x96: {  	[tilespmem:s9], [sflag:$0x1] =	stream.indirect_vreg.gather @!p0 [hbm4b:s3+s1], $0x80, v4, vm1, $0xb8;
	[tilespmem:$0xC000] =	vst v63  }
0x97: {  	s9 =	simm.s32 @!p0 $0x7800  }
0x98: {  	[tilespmem:s9], [sflag:$0x1] =	stream.indirect_vreg.gather @!p0 [hbm4b:s3+s1], $0x80, v3, vm1, $0xb8;
	[tilespmem:$0xC000] =	vst v63  }
0x99: {  	s31 =	sadd.s32 $0x1000, s31;
	_ =	swait.ge [sflag:s26], $0x4000  }
0x9a: {  	p0 =	sne.s32 s31, $0x80000;
	[sflag:s26] =	ssyncset.done $0x0  }
.Ltmp0:
0x9b: {  	s0 =	sadd.s32 $0x800, s0;
	[sflag:s26] =	ssyncadd.s32 $0xFFFFC000;
	(pc) =	sbr.rel @p0 .LBB2_2-.Ltmp0, $4  }
0x9c: {  	[hbm4b:s0+s2] =	stream.linear.scatter [tilespmem:s17], [sflag:$0x4], $0x4000, $0x38;
	[tilespmem:$0xC000] =	vst v63  }
0x9d: {  	_ =	swait.ge [sflag:s28], $0x4000  }
0x9e: {  	[sflag:s28] =	ssyncset.done $0x0  }
0x9f: {  	s30 =	sadd.s32 $0x80, s30;
	[sflag:s28] =	ssyncadd.s32 $0xFFFFC000  }
0xa0: {  	s29 =	sadd.s32 $0x1, s29  }
0xa1: {  	p0 =	sne.s32 s29, s5  }
.Ltmp1:
0xa2: {  	_ = 	snop;
	(pc) =	sbr.rel @p0 .LBB2_1-.Ltmp1, $1  }
0xa3: {  	_ =	sdelay $0x3  }
0xa4: {  	_ =	sfence.sel $0x180000  }
0xa5: {  	[bflag:$0x0] =	sbarrier.arrive $0xFFFF  }
0xa6: {  	_ =	strace $0x90000053  }
0xa7: {  	s0 =	stileid.u32;
	[bflag:$0x2] =	sbarrier.arrive $0xFFFF  }
0xa8: {  	p0 =	sne.s32 s0, $0x0;
	s0 =	rddreg [dreg:$0x1]  }
0xa9: {  	s0 =	sadd.s32 @!p0 $0x100000, s0  }
0xaa: {  	[sflag:s0] =	ssyncadd.tile.s32 @!p0 $0x1;
	_ =	shalt  }
.Lfunc_end2:
_tile_overlayer_lowered:
.L_overlay_start_2:
0xab: {  	(tag) =	ssettag $0x2  }
0xac: {  	s0 =	rddreg [dreg:$0x0];
	s2 =	stileid.u32  }
0xad: {  	s1 =	rddreg [dreg:$0x1];
	p0 =	sne.s32 s2, $0x0  }
0xae: {  	s3 =	rddreg [dreg:$0x2];
	[bflag:$0x3] =	sbarrier.arrive $0xFFFF;
	s2 =	simm.s32 @!p0 $0x1C05  }
0xaf: {  	[timem:s3], [sflag:s2] =	dma.local @!p0 [hbm:s0], s1  }
0xb0: {  	s0 =	simm.s32 @!p0 $0x5  }
0xb1: {  	_ =	swait.ge @!p0 [sflag:s0], s1  }
0xb2: {  	s1 =	ssub.s32 @!p0 $0x0, s1;
	[sflag:s0] =	ssyncset.done @!p0 $0x0  }
0xb3: {  	[sflag:s0] =	ssyncadd.s32 @!p0 s1  }
0xb4: {  	[bflag:$0x3] =	sbarrier.arrive $0xFFFF  }
0xb5: {  	_ =	shalt  }

// kernel: kernel.14.cloned.1.call-start
scs
__scs_entry_jumppad:
0x0: {  	(pc) =	sbr.rel $0x88, $3  }
0x1: {  	(tag) =	ssettag $0x0;
	lr =	simm.s32 $0x1  }
0x2: {  	[smem:$0x3F93] =	sst lr;
	_ =	strace $0xD0000000  }
0x3: {  	_ = 	snop  }
0x4: {  	_ = 	snop  }
0x5: {  	_ = 	snop  }
0x6: {  	_ = 	snop  }
0x7: {  	_ = 	snop  }
__scs_overlays_trampoline_lowered:
0x8: {  	[smem:$0x3FA2] =	sst s0  }
0x9: {  	[smem:$0x3FA3] =	sst s1  }
0xa: {  	[smem:$0x3FA4] =	sst s2  }
0xb: {  	[smem:$0x3FA5] =	sst s3  }
0xc: {  	[smem:$0x3FA6] =	sst s4  }
0xd: {  	[smem:$0x3FA7] =	sst s5  }
0xe: {  	[smem:$0x3FA8] =	sst s6  }
0xf: {  	[smem:$0x3FA9] =	sst s7  }
0x10: {  	[smem:$0x3FAA] =	sst s8  }
0x11: {  	[smem:$0x3FAB] =	sst s9;
	s0 =	simm.s32 @!p0 $0x0  }
0x12: {  	s1 =	sld [smem:$0x3F91];
	s0 =	simm.s32 @p0 $0x1  }
0x13: {  	[smem:$0x3FAC] =	sst s0;
	s0 =	simm.s32 @!p1 $0x0  }
0x14: {  	s2 =	sld [smem:$0x3F90];
	s0 =	simm.s32 @p1 $0x1  }
0x15: {  	[smem:$0x3FAD] =	sst s0;
	s0 =	simm.s32 @!p2 $0x0  }
0x16: {  	s3 =	sld [smem:$0x3FDB];
	s0 =	simm.s32 @p2 $0x1  }
0x17: {  	s4 =	simm.s32 $0x1BF5;
	[smem:$0x3FAF] =	sst s0  }
0x18: {  	s0 =	sld [smem:$0x3F92];
	_ =	swait.ge [sflag:s4], $0x0  }
0x19: {  	s7 =	sld [smem:$0x3F93]  }
0x1a: {  	s8 =	sadd.s32 $0xFFFFE003, lr  }
0x1b: {  	s9 =	sadd.s32 $0xFFFFFEF7, lr;
	s5 =	simm.s32 $0xFFFFFFFF;
	p2 =	slt.u32 s8, $0xFFFFF086  }
0x1c: {  	p1 =	slt.u32 s9, $0xF7A;
	s5 =	simm.s32 @!p2 $0x0  }
0x1d: {  	s5 =	simm.s32 @p1 $0x1;
	p0 =	seq.s32 s7, s2  }
0x1e: {  	s7 =	smul.u32 @!p0 $0xF7A, s2;
	p2 =	seq.s32 @!p0 s5, $0x0  }
0x1f: {  	s9 =	smul.u32 $0xF7A, s1;
	s8 =	simm.s32 @!p0 $0x1BF5;
	p2 =	por !p2, p0  }
0x20: {  	[sflag:s8] =	ssyncset.s32 @!p0 $0xFFFFF086;
	s6 =	sadd.s32 @!p0 s3, s7;
	s7 =	simm.s32 @!p0 $0x108  }
0x21: {  	s3 =	sadd.s32 s3, s9;
	s6 =	sadd.s32 @!p0 $0x88, s6;
	s7 =	simm.s32 @p2 $0x1082  }
0x22: {  	[simem:s7], [sflag:s8] =	dma.local @!p0 [hbm:s6], $0xF7A  }
0x23: {  	s9 =	sor.u32 $0xD0000000, s2;
	s6 =	simm.s32 $0x108;
	_ =	swait.ge @!p0 [sflag:s8], $0x0  }
0x24: {  	s3 =	sadd.s32 $0x88, s3;
	s6 =	simm.s32 @!p1 $0x1082;
	[sflag:s4] =	ssyncset.s32 $0xFFFFF086  }
0x25: {  	[simem:s6], [sflag:s4] =	dma.local [hbm:s3], $0xF7A  }
0x26: {  	[smem:$0x3F93] =	sst s1;
	(tag) =	ssettag s2;
	_ =	strace s9  }
0x27: {  	s1 =	sld [smem:$0x3FA3]  }
0x28: {  	s2 =	sld [smem:$0x3FA4]  }
0x29: {  	s4 =	sld [smem:$0x3FA6]  }
0x2a: {  	p0 =	seq.s32 s5, $0x0;
	s5 =	sld [smem:$0x3FA7]  }
0x2b: {  	s6 =	sld [smem:$0x3FA8]  }
0x2c: {  	s7 =	sld [smem:$0x3FA9]  }
0x2d: {  	s3 =	simm.s32 $0x108;
	s8 =	sld [smem:$0x3FAA]  }
0x2e: {  	s3 =	simm.s32 @!p0 $0x1082;
	s9 =	sld [smem:$0x3FAB]  }
0x2f: {  	lr =	sadd.s32 s0, s3;
	s0 =	sld [smem:$0x3FA2]  }
0x30: {  	s3 =	sld [smem:$0x3FA5]  }
0x31: {  	[smem:$0x3FAE] =	sst s10  }
0x32: {  	s10 =	sld [smem:$0x3FAC];
	_ =	sdelay $0x3  }
0x33: {  	p0 =	seq.s32 s10, $0x1;
	s10 =	sld [smem:$0x3FAE];
	_ =	sdelay $0x3  }
0x34: {  	[smem:$0x3FAE] =	sst s10  }
0x35: {  	s10 =	sld [smem:$0x3FAD];
	_ =	sdelay $0x3  }
0x36: {  	p1 =	seq.s32 s10, $0x1;
	s10 =	sld [smem:$0x3FAE];
	_ =	sdelay $0x3  }
0x37: {  	[smem:$0x3FAE] =	sst s10  }
0x38: {  	s10 =	sld [smem:$0x3FAF]  }
0x39: {  	_ = 	snop;
	(pc) =	sbr.ind lr, $3  }
0x3a: {  	_ = 	snop  }
0x3b: {  	_ = 	snop  }
0x3c: {  	p2 =	seq.s32 s10, $0x1;
	s10 =	sld [smem:$0x3FAE]  }
0x3d: {  	_ =	shalt  }
0x3e: {  	_ =	shalt  }
0x3f: {  	_ =	shalt  }
0x40: {  	_ =	shalt  }
0x41: {  	_ =	shalt  }
0x42: {  	_ =	shalt  }
0x43: {  	_ =	shalt  }
0x44: {  	_ =	shalt  }
0x45: {  	_ =	shalt  }
0x46: {  	_ =	shalt  }
0x47: {  	_ =	shalt  }
0x48: {  	_ =	shalt  }
0x49: {  	_ =	shalt  }
0x4a: {  	_ =	shalt  }
0x4b: {  	_ =	shalt  }
0x4c: {  	_ =	shalt  }
0x4d: {  	_ =	shalt  }
0x4e: {  	_ =	shalt  }
0x4f: {  	_ =	shalt  }
0x50: {  	_ =	shalt  }
0x51: {  	_ =	shalt  }
0x52: {  	_ =	shalt  }
0x53: {  	_ =	shalt  }
0x54: {  	_ =	shalt  }
0x55: {  	_ =	shalt  }
0x56: {  	_ =	shalt  }
0x57: {  	_ =	shalt  }
0x58: {  	_ =	shalt  }
0x59: {  	_ =	shalt  }
0x5a: {  	_ =	shalt  }
0x5b: {  	_ =	shalt  }
0x5c: {  	_ =	shalt  }
0x5d: {  	_ =	shalt  }
0x5e: {  	_ =	shalt  }
0x5f: {  	_ =	shalt  }
0x60: {  	_ =	shalt  }
0x61: {  	_ =	shalt  }
0x62: {  	_ =	shalt  }
0x63: {  	_ =	shalt  }
0x64: {  	_ =	shalt  }
0x65: {  	_ =	shalt  }
0x66: {  	_ =	shalt  }
0x67: {  	_ =	shalt  }
0x68: {  	_ =	shalt  }
0x69: {  	_ =	shalt  }
0x6a: {  	_ =	shalt  }
0x6b: {  	_ =	shalt  }
0x6c: {  	_ =	shalt  }
0x6d: {  	_ =	shalt  }
0x6e: {  	_ =	shalt  }
0x6f: {  	_ =	shalt  }
0x70: {  	_ =	shalt  }
0x71: {  	_ =	shalt  }
0x72: {  	_ =	shalt  }
0x73: {  	_ =	shalt  }
0x74: {  	_ =	shalt  }
0x75: {  	_ =	shalt  }
0x76: {  	_ =	shalt  }
0x77: {  	_ =	shalt  }
0x78: {  	_ =	shalt  }
0x79: {  	_ =	shalt  }
0x7a: {  	_ =	shalt  }
0x7b: {  	_ =	shalt  }
0x7c: {  	_ =	shalt  }
0x7d: {  	_ =	shalt  }
0x7e: {  	_ =	shalt  }
0x7f: {  	_ =	shalt  }
0x80: {  	_ =	shalt  }
0x81: {  	_ =	shalt  }
0x82: {  	_ =	shalt  }
0x83: {  	_ =	shalt  }
0x84: {  	_ =	shalt  }
0x85: {  	_ =	shalt  }
0x86: {  	_ =	shalt  }
0x87: {  	_ =	shalt  }
.Lfunc_end0:
.L_simem_size_0:
called_computation.5_lowered:
.L_overlay_start_0:
0x88: {  	s2 =	sld [smem:$0x3FD9]  }
0x89: {  	s3 =	sld [smem:$0x3FFE];
	_ =	sdelay $0x1  }
0x8a: {  	s1 =	srdreg.scid  }
0x8b: {  	s0 =	sand.u32 $0x1, s1  }
0x8c: {  	s16 =	sshll.u32 s0, $0xA;
	s2 =	sadd.s32 s3, s2  }
0x8d: {  	s2 =	sadd.s32 s2, s16  }
0x8e: {  	[smem:$0x3FBA] =	sst s2  }
0x8f: {  	_ = 	snop  }
0x90: {  	(tm) =	ssettm $0x1  }
0x91: {  	s17 =	sld [smem:$0x3FFB];
	_ =	sdelay $0x3  }
0x92: {  	_ =	strace s17  }
0x93: {  	s2 =	sld [smem:$0x3FFC];
	_ =	sdelay $0x3  }
0x94: {  	_ =	strace s2  }
0x95: {  	s2 =	sld [smem:$0x3FFD];
	_ =	sdelay $0x3  }
0x96: {  	_ =	strace s2  }
0x97: {  	_ =	strace $0x8FFFFFFF  }
0x98: {  	s18 =	sld [smem:$0x3FDB];
	_ =	sdelay $0x1  }
0x99: {  	s19 =	simm.s32 $_scs_section_size  }
0x9a: {  	s4 =	simm.s32 $_size__tile_overlayer_lowered;
	s5 =	simm.s32 $_tile_overlayer_lowered  }
0x9b: {  	s22 =	simm.s32 $0x1BFF;
	s21 =	sshll.u32 s5, $0x1;
	s2 =	sadd.s32 s19, s18  }
0x9c: {  	s6 =	simm.s32 $0x0;
	s20 =	sshll.u32 s4, $0x1;
	s4 =	sadd.s32 s21, s2  }
0x9d: {  	[timem:s6], [sflag:s22] =	dma.local [hbm:s4], s20  }
0x9e: {  	_ =	swait.ge [sflag:s22], s20  }
0x9f: {  	s3 =	ssub.s32 $0x0, s20;
	[sflag:s22] =	ssyncset.done $0x0  }
0xa0: {  	[sflag:s22] =	ssyncadd.s32 s3;
	_ =	sdelay $0x1  }
0xa1: {  	s23 =	simm.s32 $0x1B8B  }
0xa2: {  	_ =	swait.ge [sflag:s23], $0x1  }
0xa3: {  	[sflag:s23] =	ssyncset.done $0x0  }
0xa4: {  	s25 =	simm.s32 $0x1B8E;
	s24 =	sld [smem:$0x3FFE];
	[sflag:s23] =	ssyncadd.s32 $0xFFFFFFFF  }
0xa5: {  	s26 =	simm.s32 $execute0_lowered;
	[smem:$0x3FD2] =	sst s25  }
0xa6: {  	s4 =	sshll.u32 s26, $0x1;
	_ =	strace $0x80000055;
	[dreg:$0x1] =	wrdreg $0xFFFFFFFF  }
0xa7: {  	s28 =	simm.s32 $_size_execute0_lowered;
	s2 =	sadd.s32 s2, s4;
	[dreg:$0x0] =	wrdreg $0x0  }
0xa8: {  	s4 =	sshll.u32 s28, $0x1;
	[dreg:$0x2] =	wrdreg s2  }
0xa9: {  	[dreg:$0x3] =	wrdreg s4  }
0xaa: {  	[dreg:$0x4] =	wrdreg $0xC0  }
0xab: {  	_ =	task [dreg:s6], $0x5FFFF  }
0xac: {  	[dreg:$0x1] =	wrdreg $0xFFFFFFFF  }
0xad: {  	[dreg:$0x0] =	wrdreg $0x60  }
0xae: {  	[dreg:$0x2] =	wrdreg s24  }
0xaf: {  	[dreg:$0x3] =	wrdreg $0x9  }
0xb0: {  	_ =	task.clear_ibuf [dreg:s6], $0x4FFFF;
	_ =	strace $0x90000055  }
0xb1: {  	s29 =	simm.s32 $0x9;
	_ =	strace $0x80000057  }
0xb2: {  	_ =	swait.ge [sflag:s29], $0x1  }
0xb3: {  	[sflag:s29] =	ssyncadd.s32 $0xFFFFFFFF  }
0xb4: {  	_ =	strace $0x90000057  }
0xb5: {  	_ =	sfence  }
0xb6: {  	s30 =	sld [smem:$0x0];
	_ =	sdelay $0x2  }
0xb7: {  	s31 =	sshll.u32 s1, $0xD;
	s1 =	sshrl.u32 s1, $0x2  }
0xb8: {  	s3 =	sand.u32 $0x4000, s31;
	s1 =	sadd.s32 s1, s30  }
0xb9: {  	s0 =	sor.u32 s3, s0;
	s1 =	sshll.u32 s1, $0x11  }
0xba: {  	s0 =	sor.u32 s1, s0  }
0xbb: {  	s0 =	sadd.s32 $0x8F2B, s0  }
0xbc: {  	[sflag:s0] =	ssyncadd.remote.s32 $0x1  }
0xbd: {  	_ =	sfence.sel $0xFFFF  }
0xbe: {  	[dreg:$0x0] =	wrdreg $0xFFFFFFFF;
	(pc) =	sbr.abs _section_cstart, $3  }
0xbf: {  	[dreg:$0x1] =	wrdreg $0xFFFFFFFF  }
0xc0: {  	_ =	task.clear_ibuf [dreg:s6], $0x2FFFF;
	_ =	strace $0x9FFFFFFF  }
0xc1: {  	(tm) =	ssettm $0x7FFFFFFF  }
tec
execute0_lowered:
.L_overlay_start_1:
0x0: {  	(tag) =	ssettag $0x1  }
0x1: {  	s0 =	rddreg [dreg:$0x0];
	s2 =	srdreg.scid  }
0x2: {  	s1 =	stileid.u32;
	s10 =	simm.s32 $0x5000;
	s11 =	simm.s32 $0x5800  }
0x3: {  	s12 =	simm.s32 $0x6000;
	s13 =	simm.s32 $0x6800;
	s14 =	simm.s32 $0x7000  }
0x4: {  	s15 =	simm.s32 $0x7800;
	s16 =	simm.s32 $0x1;
	s17 =	simm.s32 $0x8000  }
0x5: {  	s18 =	simm.s32 $0x8800;
	s19 =	simm.s32 $0x9000;
	s20 =	simm.s32 $0x9800  }
0x6: {  	s21 =	simm.s32 $0xA000;
	s22 =	simm.s32 $0xA800;
	s23 =	simm.s32 $0xB000  }
0x7: {  	s24 =	simm.s32 $0xB800;
	s25 =	simm.s32 $0x3;
	s26 =	simm.s32 $0x2  }
0x8: {  	s28 =	simm.s32 $0x4;
	s29 =	simm.s32 $0x0;
	s4 =	sand.u32 $0x1, s2  }
0x9: {  	s2 =	simm.s32 $0x0;
	s3 =	sshll.u32 s1, $0xF;
	s6 =	sshll.u32 s1, $0x14  }
0xa: {  	s5 =	sshll.u32 s4, $0xE;
	[smem:$0x7FF] =	sst s2;
	s7 =	ssub.s32 $0x2, s4  }
0xb: {  	s8 =	sshll.u32 s4, $0x13;
	s5 =	sor.u32 s5, s3;
	_ =	strace $0x80000056  }
0xc: {  	s3 =	sadd.s32 $0x8D1E00, s0;
	s31 =	sshrl.u32 s7, $0x1;
	s5 =	sshrl.u32 s5, $0x3  }
0xd: {  	v2 =	vlaneseq.u32;
	s5 =	sadd.s32 s5, s0;
	s0 =	sadd.s32 s6, s0;
	s6 =	ssub.s32 s7, s31  }
0xe: {  	vm0 =	vmmov $0xffff;
	v1 =	vshrl.u32 v2, $0x3;
	s7 =	simm.s32 $0x5;
	s4 =	sadd.s32 $0x6200, s5;
	s0 =	sadd.s32 s8, s0  }
0xf: {  	v0 =	vand.u32 $0x7, v2;
	v2 =	vor.u32 $0x8, v2;
	v1 =	vmul.u32 $0x8, v1;
	s5 =	smax.u32 s6, $0x1;
	s8 =	simm.s32 $0x4000;
	s6 =	sadd.s32 $0xC10200, s0  }
.LBB2_1:
0x10: {  	[tilespmem:s2], [sflag:$0x5] =	stream.linear.gather [hbm4b:s4+s2], $0x4000, $0x38;
	[tilespmem:$0xC000] =	vst v63  }
0x11: {  	_ =	swait.ge [sflag:s7], $0x4000  }
0x12: {  	[sflag:s7] =	ssyncset.done $0x0  }
0x13: {  	[sflag:s7] =	ssyncadd.s32 $0xFFFFC000  }
0x14: {  	v3 =	vld [tilespmem:$0x0];
	_ =	sdelay $0x4  }
0x15: {  	v4 =	vshll.u32 v3, $0x1  }
0x16: {  	v3 =	vand.u32 $0x7, v3;
	v4 =	vand.u32 $0xFFFFFFF0, v4  }
0x17: {  	v3 =	vor.u32 v3, v4  }
0x18: {  	v4 =	vperm.xlane v3, v0;
	_ =	sdelay $0x1  }
0x19: {  	v3 =	vperm.xlane v3, v2;
	v4 =	vadd.s32 v1, v4;
	_ =	sdelay $0x1  }
0x1a: {  	v3 =	vadd.s32 v1, v3;
	_ =	sdelay $0x2  }
0x1b: {  	[tilespmem:s8], [sflag:$0x1] =	stream.indirect_vreg.gather [hbm4b:s3+s2], $0x80, v4, vm0, $0xb8;
	[tilespmem:$0xC000] =	vst v63  }
0x1c: {  	s0 =	simm.s32 $0x4800  }
0x1d: {  	[tilespmem:s0], [sflag:$0x1] =	stream.indirect_vreg.gather [hbm4b:s3+s2], $0x80, v3, vm0, $0xb8;
	[tilespmem:$0xC000] =	vst v63  }
0x1e: {  	v3 =	vld [tilespmem:$0x10];
	_ =	sdelay $0x4  }
0x1f: {  	v61 =	vshll.u32 v3, $0x1  }
0x20: {  	v3 =	vand.u32 $0x7, v3;
	v4 =	vand.u32 $0xFFFFFFF0, v61  }
0x21: {  	v3 =	vor.u32 v3, v4  }
0x22: {  	v4 =	vperm.xlane v3, v0;
	_ =	sdelay $0x1  }
0x23: {  	v3 =	vperm.xlane v3, v2;
	v4 =	vadd.s32 v1, v4;
	_ =	sdelay $0x1  }
0x24: {  	v3 =	vadd.s32 v1, v3;
	_ =	sdelay $0x2  }
0x25: {  	[tilespmem:s10], [sflag:$0x1] =	stream.indirect_vreg.gather [hbm4b:s3+s2], $0x80, v4, vm0, $0xb8;
	[tilespmem:$0xC000] =	vst v63  }
0x26: {  	_ = 	snop  }
0x27: {  	[tilespmem:s11], [sflag:$0x1] =	stream.indirect_vreg.gather [hbm4b:s3+s2], $0x80, v3, vm0, $0xb8;
	[tilespmem:$0xC000] =	vst v63  }
0x28: {  	v3 =	vld [tilespmem:$0x20];
	_ =	sdelay $0x4  }
0x29: {  	v62 =	vshll.u32 v3, $0x1  }
0x2a: {  	v3 =	vand.u32 $0x7, v3;
	v4 =	vand.u32 $0xFFFFFFF0, v62  }
0x2b: {  	v3 =	vor.u32 v3, v4  }
0x2c: {  	v4 =	vperm.xlane v3, v0;
	_ =	sdelay $0x1  }
0x2d: {  	v3 =	vperm.xlane v3, v2;
	v4 =	vadd.s32 v1, v4;
	_ =	sdelay $0x1  }
0x2e: {  	v3 =	vadd.s32 v1, v3;
	_ =	sdelay $0x2  }
0x2f: {  	[tilespmem:s12], [sflag:$0x1] =	stream.indirect_vreg.gather [hbm4b:s3+s2], $0x80, v4, vm0, $0xb8;
	[tilespmem:$0xC000] =	vst v63  }
0x30: {  	_ = 	snop  }
0x31: {  	[tilespmem:s13], [sflag:$0x1] =	stream.indirect_vreg.gather [hbm4b:s3+s2], $0x80, v3, vm0, $0xb8;
	[tilespmem:$0xC000] =	vst v63  }
0x32: {  	v3 =	vld [tilespmem:$0x30];
	_ =	sdelay $0x4  }
0x33: {  	v63 =	vshll.u32 v3, $0x1  }
0x34: {  	v3 =	vand.u32 $0x7, v3;
	v4 =	vand.u32 $0xFFFFFFF0, v63  }
0x35: {  	v3 =	vor.u32 v3, v4  }
0x36: {  	v4 =	vperm.xlane v3, v0;
	_ =	sdelay $0x1  }
0x37: {  	v3 =	vperm.xlane v3, v2;
	v4 =	vadd.s32 v1, v4;
	_ =	sdelay $0x1  }
0x38: {  	v3 =	vadd.s32 v1, v3;
	_ =	sdelay $0x2  }
0x39: {  	[tilespmem:s14], [sflag:$0x1] =	stream.indirect_vreg.gather [hbm4b:s3+s2], $0x80, v4, vm0, $0xb8;
	[tilespmem:$0xC000] =	vst v63  }
0x3a: {  	s30 =	simm.s32 $0x60;
	s31 =	simm.s32 $0x0  }
0x3b: {  	[tilespmem:s15], [sflag:$0x1] =	stream.indirect_vreg.gather [hbm4b:s3+s2], $0x80, v3, vm0, $0xb8;
	[tilespmem:$0xC000] =	vst v63  }
.LBB2_2:
0x3c: {  	_ =	swait.ge [sflag:s16], $0x4000  }
0x3d: {  	[sflag:s16] =	ssyncset.done $0x0  }
0x3e: {  	[sflag:s16] =	ssyncadd.s32 $0xFFFFC000  }
0x3f: {  	v3 =	vld [tilespmem:s30+$0xFFFFFFE0];
	_ =	sdelay $0x4  }
0x40: {  	v4 =	vshll.u32 v3, $0x1  }
0x41: {  	v3 =	vand.u32 $0x7, v3;
	v4 =	vand.u32 $0xFFFFFFF0, v4  }
0x42: {  	v3 =	vor.u32 v3, v4  }
0x43: {  	v4 =	vperm.xlane v3, v0;
	_ =	sdelay $0x1  }
0x44: {  	v3 =	vperm.xlane v3, v2;
	v4 =	vadd.s32 v1, v4;
	_ =	sdelay $0x1  }
0x45: {  	v3 =	vadd.s32 v1, v3;
	_ =	sdelay $0x2  }
0x46: {  	[tilespmem:s17], [sflag:$0x2] =	stream.indirect_vreg.gather [hbm4b:s3+s2], $0x80, v4, vm0, $0xb8;
	[tilespmem:$0xC000] =	vst v63  }
0x47: {  	_ = 	snop  }
0x48: {  	[tilespmem:s18], [sflag:$0x2] =	stream.indirect_vreg.gather [hbm4b:s3+s2], $0x80, v3, vm0, $0xb8;
	[tilespmem:$0xC000] =	vst v63  }
0x49: {  	v3 =	vld [tilespmem:s30+$0xFFFFFFF0];
	_ =	sdelay $0x4  }
0x4a: {  	v61 =	vshll.u32 v3, $0x1  }
0x4b: {  	v3 =	vand.u32 $0x7, v3;
	v4 =	vand.u32 $0xFFFFFFF0, v61  }
0x4c: {  	v3 =	vor.u32 v3, v4  }
0x4d: {  	v4 =	vperm.xlane v3, v0;
	_ =	sdelay $0x1  }
0x4e: {  	v3 =	vperm.xlane v3, v2;
	v4 =	vadd.s32 v1, v4;
	_ =	sdelay $0x1  }
0x4f: {  	v3 =	vadd.s32 v1, v3;
	_ =	sdelay $0x2  }
0x50: {  	[tilespmem:s19], [sflag:$0x2] =	stream.indirect_vreg.gather [hbm4b:s3+s2], $0x80, v4, vm0, $0xb8;
	[tilespmem:$0xC000] =	vst v63  }
0x51: {  	_ = 	snop  }
0x52: {  	[tilespmem:s20], [sflag:$0x2] =	stream.indirect_vreg.gather [hbm4b:s3+s2], $0x80, v3, vm0, $0xb8;
	[tilespmem:$0xC000] =	vst v63  }
0x53: {  	v3 =	vld [tilespmem:s30+$0x0];
	_ =	sdelay $0x4  }
0x54: {  	v62 =	vshll.u32 v3, $0x1  }
0x55: {  	v3 =	vand.u32 $0x7, v3;
	v4 =	vand.u32 $0xFFFFFFF0, v62  }
0x56: {  	v3 =	vor.u32 v3, v4  }
0x57: {  	v4 =	vperm.xlane v3, v0;
	_ =	sdelay $0x1  }
0x58: {  	v3 =	vperm.xlane v3, v2;
	v4 =	vadd.s32 v1, v4;
	_ =	sdelay $0x1  }
0x59: {  	v3 =	vadd.s32 v1, v3;
	_ =	sdelay $0x2  }
0x5a: {  	[tilespmem:s21], [sflag:$0x2] =	stream.indirect_vreg.gather [hbm4b:s3+s2], $0x80, v4, vm0, $0xb8;
	[tilespmem:$0xC000] =	vst v63  }
0x5b: {  	_ = 	snop  }
0x5c: {  	[tilespmem:s22], [sflag:$0x2] =	stream.indirect_vreg.gather [hbm4b:s3+s2], $0x80, v3, vm0, $0xb8;
	[tilespmem:$0xC000] =	vst v63  }
0x5d: {  	v3 =	vld [tilespmem:s30+$0x10];
	_ =	sdelay $0x4  }
0x5e: {  	v63 =	vshll.u32 v3, $0x1  }
0x5f: {  	v3 =	vand.u32 $0x7, v3;
	v4 =	vand.u32 $0xFFFFFFF0, v63  }
0x60: {  	v3 =	vor.u32 v3, v4  }
0x61: {  	v4 =	vperm.xlane v3, v0;
	_ =	sdelay $0x1  }
0x62: {  	v3 =	vperm.xlane v3, v2;
	v4 =	vadd.s32 v1, v4;
	_ =	sdelay $0x1  }
0x63: {  	v3 =	vadd.s32 v1, v3;
	_ =	sdelay $0x2  }
0x64: {  	[tilespmem:s23], [sflag:$0x2] =	stream.indirect_vreg.gather [hbm4b:s3+s2], $0x80, v4, vm0, $0xb8;
	[tilespmem:$0xC000] =	vst v63  }
0x65: {  	_ = 	snop  }
0x66: {  	[tilespmem:s24], [sflag:$0x2] =	stream.indirect_vreg.gather [hbm4b:s3+s2], $0x80, v3, vm0, $0xb8;
	[tilespmem:$0xC000] =	vst v63  }
0x67: {  	s0 =	sadd.s32 s31, s6  }
0x68: {  	[hbm4b:s0+s2] =	stream.linear.scatter [tilespmem:s8], [sflag:$0x3], $0x4000, $0x38;
	[tilespmem:$0xC000] =	vst v63  }
0x69: {  	_ =	swait.ge [sflag:s25], $0x4000  }
0x6a: {  	[sflag:s25] =	ssyncset.done $0x0  }
0x6b: {  	p0 =	seq.s32 s31, $0x7F000;
	[sflag:s25] =	ssyncadd.s32 $0xFFFFC000  }
0x6c: {  	v3 =	vld @!p0 [tilespmem:s30+$0x20];
	_ =	sdelay $0x4  }
0x6d: {  	v4 =	vshll.u32 @!p0 v3, $0x1  }
0x6e: {  	v5 =	vlaneseq.u32 @!p0;
	v3 =	vand.u32 @!p0 $0x7, v3;
	v4 =	vand.u32 @!p0 $0xFFFFFFF0, v4  }
0x6f: {  	v6 =	vshrl.u32 @!p0 v5, $0x3;
	v3 =	vor.u32 @!p0 v3, v4;
	v4 =	vand.u32 @!p0 $0x7, v5  }
0x70: {  	v6 =	vmul.u32 @!p0 $0x8, v6;
	v7 =	vperm.xlane @!p0 v3, v4  }
0x71: {  	v5 =	vor.u32 @!p0 $0x8, v5  }
0x72: {  	v3 =	vperm.xlane @!p0 v3, v5;
	v7 =	vadd.s32 @!p0 v6, v7;
	_ =	sdelay $0x1  }
0x73: {  	v3 =	vadd.s32 @!p0 v6, v3;
	_ =	sdelay $0x1  }
0x74: {  	vm1 =	vmmov @!p0 $0xffff;
	s1 =	simm.s32 @!p0 $0x0;
	s9 =	simm.s32 @!p0 $0x4000  }
0x75: {  	[tilespmem:s9], [sflag:$0x1] =	stream.indirect_vreg.gather @!p0 [hbm4b:s3+s1], $0x80, v7, vm1, $0xb8;
	[tilespmem:$0xC000] =	vst v63  }
0x76: {  	s9 =	simm.s32 @!p0 $0x4800  }
0x77: {  	[tilespmem:s9], [sflag:$0x1] =	stream.indirect_vreg.gather @!p0 [hbm4b:s3+s1], $0x80, v3, vm1, $0xb8;
	[tilespmem:$0xC000] =	vst v63  }
0x78: {  	v3 =	vld @!p0 [tilespmem:s30+$0x30];
	_ =	sdelay $0x4  }
0x79: {  	v7 =	vshll.u32 @!p0 v3, $0x1  }
0x7a: {  	v3 =	vand.u32 @!p0 $0x7, v3;
	v7 =	vand.u32 @!p0 $0xFFFFFFF0, v7  }
0x7b: {  	v3 =	vor.u32 @!p0 v3, v7  }
0x7c: {  	v7 =	vperm.xlane @!p0 v3, v4;
	_ =	sdelay $0x1  }
0x7d: {  	v3 =	vperm.xlane @!p0 v3, v5;
	v7 =	vadd.s32 @!p0 v6, v7;
	_ =	sdelay $0x1  }
0x7e: {  	v3 =	vadd.s32 @!p0 v6, v3;
	_ =	sdelay $0x1  }
0x7f: {  	s9 =	simm.s32 @!p0 $0x5000  }
0x80: {  	[tilespmem:s9], [sflag:$0x1] =	stream.indirect_vreg.gather @!p0 [hbm4b:s3+s1], $0x80, v7, vm1, $0xb8;
	[tilespmem:$0xC000] =	vst v63  }
0x81: {  	s9 =	simm.s32 @!p0 $0x5800  }
0x82: {  	[tilespmem:s9], [sflag:$0x1] =	stream.indirect_vreg.gather @!p0 [hbm4b:s3+s1], $0x80, v3, vm1, $0xb8;
	[tilespmem:$0xC000] =	vst v63  }
0x83: {  	v3 =	vld @!p0 [tilespmem:s30+$0x40];
	_ =	sdelay $0x4  }
0x84: {  	v7 =	vshll.u32 @!p0 v3, $0x1  }
0x85: {  	v3 =	vand.u32 @!p0 $0x7, v3;
	v7 =	vand.u32 @!p0 $0xFFFFFFF0, v7  }
0x86: {  	v3 =	vor.u32 @!p0 v3, v7  }
0x87: {  	v7 =	vperm.xlane @!p0 v3, v4;
	_ =	sdelay $0x1  }
0x88: {  	v3 =	vperm.xlane @!p0 v3, v5;
	v7 =	vadd.s32 @!p0 v6, v7;
	_ =	sdelay $0x1  }
0x89: {  	v3 =	vadd.s32 @!p0 v6, v3;
	_ =	sdelay $0x1  }
0x8a: {  	s9 =	simm.s32 @!p0 $0x6000  }
0x8b: {  	[tilespmem:s9], [sflag:$0x1] =	stream.indirect_vreg.gather @!p0 [hbm4b:s3+s1], $0x80, v7, vm1, $0xb8;
	[tilespmem:$0xC000] =	vst v63  }
0x8c: {  	s9 =	simm.s32 @!p0 $0x6800  }
0x8d: {  	[tilespmem:s9], [sflag:$0x1] =	stream.indirect_vreg.gather @!p0 [hbm4b:s3+s1], $0x80, v3, vm1, $0xb8;
	[tilespmem:$0xC000] =	vst v63  }
0x8e: {  	v3 =	vld @!p0 [tilespmem:s30+$0x50];
	_ =	sdelay $0x4  }
0x8f: {  	v7 =	vshll.u32 @!p0 v3, $0x1  }
0x90: {  	v3 =	vand.u32 @!p0 $0x7, v3;
	v7 =	vand.u32 @!p0 $0xFFFFFFF0, v7  }
0x91: {  	v3 =	vor.u32 @!p0 v3, v7  }
0x92: {  	v4 =	vperm.xlane @!p0 v3, v4;
	_ =	sdelay $0x1  }
0x93: {  	v3 =	vperm.xlane @!p0 v3, v5;
	v4 =	vadd.s32 @!p0 v6, v4;
	_ =	sdelay $0x1  }
0x94: {  	v3 =	vadd.s32 @!p0 v6, v3;
	_ =	sdelay $0x1  }
0x95: {  	s9 =	simm.s32 @!p0 $0x7000  }
0x96: {  	[tilespmem:s9], [sflag:$0x1] =	stream.indirect_vreg.gather @!p0 [hbm4b:s3+s1], $0x80, v4, vm1, $0xb8;
	[tilespmem:$0xC000] =	vst v63  }
0x97: {  	s9 =	simm.s32 @!p0 $0x7800  }
0x98: {  	[tilespmem:s9], [sflag:$0x1] =	stream.indirect_vreg.gather @!p0 [hbm4b:s3+s1], $0x80, v3, vm1, $0xb8;
	[tilespmem:$0xC000] =	vst v63  }
0x99: {  	s31 =	sadd.s32 $0x1000, s31;
	_ =	swait.ge [sflag:s26], $0x4000  }
0x9a: {  	p0 =	sne.s32 s31, $0x80000;
	[sflag:s26] =	ssyncset.done $0x0  }
.Ltmp0:
0x9b: {  	s0 =	sadd.s32 $0x800, s0;
	[sflag:s26] =	ssyncadd.s32 $0xFFFFC000;
	(pc) =	sbr.rel @p0 .LBB2_2-.Ltmp0, $4  }
0x9c: {  	[hbm4b:s0+s2] =	stream.linear.scatter [tilespmem:s17], [sflag:$0x4], $0x4000, $0x38;
	[tilespmem:$0xC000] =	vst v63  }
0x9d: {  	_ =	swait.ge [sflag:s28], $0x4000  }
0x9e: {  	[sflag:s28] =	ssyncset.done $0x0  }
0x9f: {  	s30 =	sadd.s32 $0x80, s30;
	[sflag:s28] =	ssyncadd.s32 $0xFFFFC000  }
0xa0: {  	s29 =	sadd.s32 $0x1, s29  }
0xa1: {  	p0 =	sne.s32 s29, s5  }
.Ltmp1:
0xa2: {  	_ = 	snop;
	(pc) =	sbr.rel @p0 .LBB2_1-.Ltmp1, $1  }
0xa3: {  	_ =	sdelay $0x3  }
0xa4: {  	_ =	sfence.sel $0x180000  }
0xa5: {  	[bflag:$0x0] =	sbarrier.arrive $0xFFFF  }
0xa6: {  	_ =	strace $0x90000056  }
0xa7: {  	s0 =	stileid.u32;
	[bflag:$0x2] =	sbarrier.arrive $0xFFFF  }
0xa8: {  	p0 =	sne.s32 s0, $0x0;
	s0 =	rddreg [dreg:$0x1]  }
0xa9: {  	s0 =	sadd.s32 @!p0 $0x100000, s0  }
0xaa: {  	[sflag:s0] =	ssyncadd.tile.s32 @!p0 $0x1;
	_ =	shalt  }
.Lfunc_end2:
_tile_overlayer_lowered:
.L_overlay_start_2:
0xab: {  	(tag) =	ssettag $0x2  }
0xac: {  	s0 =	rddreg [dreg:$0x0];
	s2 =	stileid.u32  }
0xad: {  	s1 =	rddreg [dreg:$0x1];
	p0 =	sne.s32 s2, $0x0  }
0xae: {  	s3 =	rddreg [dreg:$0x2];
	[bflag:$0x3] =	sbarrier.arrive $0xFFFF;
	s2 =	simm.s32 @!p0 $0x1C05  }
0xaf: {  	[timem:s3], [sflag:s2] =	dma.local @!p0 [hbm:s0], s1  }
0xb0: {  	s0 =	simm.s32 @!p0 $0x5  }
0xb1: {  	_ =	swait.ge @!p0 [sflag:s0], s1  }
0xb2: {  	s1 =	ssub.s32 @!p0 $0x0, s1;
	[sflag:s0] =	ssyncset.done @!p0 $0x0  }
0xb3: {  	[sflag:s0] =	ssyncadd.s32 @!p0 s1  }
0xb4: {  	[bflag:$0x3] =	sbarrier.arrive $0xFFFF  }
0xb5: {  	_ =	shalt  }

// kernel: kernel.8.cloned.1.call-start
scs
__scs_entry_jumppad:
0x0: {  	(pc) =	sbr.rel $0x88, $3  }
0x1: {  	(tag) =	ssettag $0x0;
	lr =	simm.s32 $0x1  }
0x2: {  	[smem:$0x3F93] =	sst lr;
	_ =	strace $0xD0000000  }
0x3: {  	_ = 	snop  }
0x4: {  	_ = 	snop  }
0x5: {  	_ = 	snop  }
0x6: {  	_ = 	snop  }
0x7: {  	_ = 	snop  }
__scs_overlays_trampoline_lowered:
0x8: {  	[smem:$0x3FA2] =	sst s0  }
0x9: {  	[smem:$0x3FA3] =	sst s1  }
0xa: {  	[smem:$0x3FA4] =	sst s2  }
0xb: {  	[smem:$0x3FA5] =	sst s3  }
0xc: {  	[smem:$0x3FA6] =	sst s4  }
0xd: {  	[smem:$0x3FA7] =	sst s5  }
0xe: {  	[smem:$0x3FA8] =	sst s6  }
0xf: {  	[smem:$0x3FA9] =	sst s7  }
0x10: {  	[smem:$0x3FAA] =	sst s8  }
0x11: {  	[smem:$0x3FAB] =	sst s9;
	s0 =	simm.s32 @!p0 $0x0  }
0x12: {  	s1 =	sld [smem:$0x3F91];
	s0 =	simm.s32 @p0 $0x1  }
0x13: {  	[smem:$0x3FAC] =	sst s0;
	s0 =	simm.s32 @!p1 $0x0  }
0x14: {  	s2 =	sld [smem:$0x3F90];
	s0 =	simm.s32 @p1 $0x1  }
0x15: {  	[smem:$0x3FAD] =	sst s0;
	s0 =	simm.s32 @!p2 $0x0  }
0x16: {  	s3 =	sld [smem:$0x3FDB];
	s0 =	simm.s32 @p2 $0x1  }
0x17: {  	s4 =	simm.s32 $0x1BF5;
	[smem:$0x3FAF] =	sst s0  }
0x18: {  	s0 =	sld [smem:$0x3F92];
	_ =	swait.ge [sflag:s4], $0x0  }
0x19: {  	s7 =	sld [smem:$0x3F93]  }
0x1a: {  	s8 =	sadd.s32 $0xFFFFE003, lr  }
0x1b: {  	s9 =	sadd.s32 $0xFFFFFEF7, lr;
	s5 =	simm.s32 $0xFFFFFFFF;
	p2 =	slt.u32 s8, $0xFFFFF086  }
0x1c: {  	p1 =	slt.u32 s9, $0xF7A;
	s5 =	simm.s32 @!p2 $0x0  }
0x1d: {  	s5 =	simm.s32 @p1 $0x1;
	p0 =	seq.s32 s7, s2  }
0x1e: {  	s7 =	smul.u32 @!p0 $0xF7A, s2;
	p2 =	seq.s32 @!p0 s5, $0x0  }
0x1f: {  	s9 =	smul.u32 $0xF7A, s1;
	s8 =	simm.s32 @!p0 $0x1BF5;
	p2 =	por !p2, p0  }
0x20: {  	[sflag:s8] =	ssyncset.s32 @!p0 $0xFFFFF086;
	s6 =	sadd.s32 @!p0 s3, s7;
	s7 =	simm.s32 @!p0 $0x108  }
0x21: {  	s3 =	sadd.s32 s3, s9;
	s6 =	sadd.s32 @!p0 $0x88, s6;
	s7 =	simm.s32 @p2 $0x1082  }
0x22: {  	[simem:s7], [sflag:s8] =	dma.local @!p0 [hbm:s6], $0xF7A  }
0x23: {  	s9 =	sor.u32 $0xD0000000, s2;
	s6 =	simm.s32 $0x108;
	_ =	swait.ge @!p0 [sflag:s8], $0x0  }
0x24: {  	s3 =	sadd.s32 $0x88, s3;
	s6 =	simm.s32 @!p1 $0x1082;
	[sflag:s4] =	ssyncset.s32 $0xFFFFF086  }
0x25: {  	[simem:s6], [sflag:s4] =	dma.local [hbm:s3], $0xF7A  }
0x26: {  	[smem:$0x3F93] =	sst s1;
	(tag) =	ssettag s2;
	_ =	strace s9  }
0x27: {  	s1 =	sld [smem:$0x3FA3]  }
0x28: {  	s2 =	sld [smem:$0x3FA4]  }
0x29: {  	s4 =	sld [smem:$0x3FA6]  }
0x2a: {  	p0 =	seq.s32 s5, $0x0;
	s5 =	sld [smem:$0x3FA7]  }
0x2b: {  	s6 =	sld [smem:$0x3FA8]  }
0x2c: {  	s7 =	sld [smem:$0x3FA9]  }
0x2d: {  	s3 =	simm.s32 $0x108;
	s8 =	sld [smem:$0x3FAA]  }
0x2e: {  	s3 =	simm.s32 @!p0 $0x1082;
	s9 =	sld [smem:$0x3FAB]  }
0x2f: {  	lr =	sadd.s32 s0, s3;
	s0 =	sld [smem:$0x3FA2]  }
0x30: {  	s3 =	sld [smem:$0x3FA5]  }
0x31: {  	[smem:$0x3FAE] =	sst s10  }
0x32: {  	s10 =	sld [smem:$0x3FAC];
	_ =	sdelay $0x3  }
0x33: {  	p0 =	seq.s32 s10, $0x1;
	s10 =	sld [smem:$0x3FAE];
	_ =	sdelay $0x3  }
0x34: {  	[smem:$0x3FAE] =	sst s10  }
0x35: {  	s10 =	sld [smem:$0x3FAD];
	_ =	sdelay $0x3  }
0x36: {  	p1 =	seq.s32 s10, $0x1;
	s10 =	sld [smem:$0x3FAE];
	_ =	sdelay $0x3  }
0x37: {  	[smem:$0x3FAE] =	sst s10  }
0x38: {  	s10 =	sld [smem:$0x3FAF]  }
0x39: {  	_ = 	snop;
	(pc) =	sbr.ind lr, $3  }
0x3a: {  	_ = 	snop  }
0x3b: {  	_ = 	snop  }
0x3c: {  	p2 =	seq.s32 s10, $0x1;
	s10 =	sld [smem:$0x3FAE]  }
0x3d: {  	_ =	shalt  }
0x3e: {  	_ =	shalt  }
0x3f: {  	_ =	shalt  }
0x40: {  	_ =	shalt  }
0x41: {  	_ =	shalt  }
0x42: {  	_ =	shalt  }
0x43: {  	_ =	shalt  }
0x44: {  	_ =	shalt  }
0x45: {  	_ =	shalt  }
0x46: {  	_ =	shalt  }
0x47: {  	_ =	shalt  }
0x48: {  	_ =	shalt  }
0x49: {  	_ =	shalt  }
0x4a: {  	_ =	shalt  }
0x4b: {  	_ =	shalt  }
0x4c: {  	_ =	shalt  }
0x4d: {  	_ =	shalt  }
0x4e: {  	_ =	shalt  }
0x4f: {  	_ =	shalt  }
0x50: {  	_ =	shalt  }
0x51: {  	_ =	shalt  }
0x52: {  	_ =	shalt  }
0x53: {  	_ =	shalt  }
0x54: {  	_ =	shalt  }
0x55: {  	_ =	shalt  }
0x56: {  	_ =	shalt  }
0x57: {  	_ =	shalt  }
0x58: {  	_ =	shalt  }
0x59: {  	_ =	shalt  }
0x5a: {  	_ =	shalt  }
0x5b: {  	_ =	shalt  }
0x5c: {  	_ =	shalt  }
0x5d: {  	_ =	shalt  }
0x5e: {  	_ =	shalt  }
0x5f: {  	_ =	shalt  }
0x60: {  	_ =	shalt  }
0x61: {  	_ =	shalt  }
0x62: {  	_ =	shalt  }
0x63: {  	_ =	shalt  }
0x64: {  	_ =	shalt  }
0x65: {  	_ =	shalt  }
0x66: {  	_ =	shalt  }
0x67: {  	_ =	shalt  }
0x68: {  	_ =	shalt  }
0x69: {  	_ =	shalt  }
0x6a: {  	_ =	shalt  }
0x6b: {  	_ =	shalt  }
0x6c: {  	_ =	shalt  }
0x6d: {  	_ =	shalt  }
0x6e: {  	_ =	shalt  }
0x6f: {  	_ =	shalt  }
0x70: {  	_ =	shalt  }
0x71: {  	_ =	shalt  }
0x72: {  	_ =	shalt  }
0x73: {  	_ =	shalt  }
0x74: {  	_ =	shalt  }
0x75: {  	_ =	shalt  }
0x76: {  	_ =	shalt  }
0x77: {  	_ =	shalt  }
0x78: {  	_ =	shalt  }
0x79: {  	_ =	shalt  }
0x7a: {  	_ =	shalt  }
0x7b: {  	_ =	shalt  }
0x7c: {  	_ =	shalt  }
0x7d: {  	_ =	shalt  }
0x7e: {  	_ =	shalt  }
0x7f: {  	_ =	shalt  }
0x80: {  	_ =	shalt  }
0x81: {  	_ =	shalt  }
0x82: {  	_ =	shalt  }
0x83: {  	_ =	shalt  }
0x84: {  	_ =	shalt  }
0x85: {  	_ =	shalt  }
0x86: {  	_ =	shalt  }
0x87: {  	_ =	shalt  }
.Lfunc_end0:
.L_simem_size_0:
called_computation.3_lowered:
.L_overlay_start_0:
0x88: {  	s2 =	sld [smem:$0x3FD9]  }
0x89: {  	s3 =	sld [smem:$0x3FFE];
	_ =	sdelay $0x1  }
0x8a: {  	s1 =	srdreg.scid  }
0x8b: {  	s0 =	sand.u32 $0x1, s1  }
0x8c: {  	s14 =	sshll.u32 s0, $0xA;
	s2 =	sadd.s32 s3, s2  }
0x8d: {  	s2 =	sadd.s32 s2, s14  }
0x8e: {  	[smem:$0x3FBA] =	sst s2  }
0x8f: {  	_ = 	snop  }
0x90: {  	s2 =	sld [smem:$0x3FD0];
	_ =	sdelay $0x2  }
0x91: {  	s15 =	simm.s32 $0xA;
	s4 =	simm.s32 $0x10  }
0x92: {  	[smem:s4], [sflag:s15] =	dma.local [hbm:s2], $0x1  }
0x93: {  	_ =	swait.eq [sflag:s15], $0x1  }
0x94: {  	[sflag:s15] =	ssyncset.done $0x0  }
0x95: {  	[sflag:s15] =	ssyncadd.s32 $0xFFFFFFFF  }
0x96: {  	s16 =	sld [smem:$0x10];
	(tm) =	ssettm $0x1  }
0x97: {  	s17 =	sld [smem:$0x3FFB];
	_ =	sdelay $0x3  }
0x98: {  	_ =	strace s17  }
0x99: {  	s3 =	sld [smem:$0x3FFC];
	_ =	sdelay $0x3  }
0x9a: {  	_ =	strace s3  }
0x9b: {  	s3 =	sld [smem:$0x3FFD];
	_ =	sdelay $0x3  }
0x9c: {  	_ =	strace s3  }
0x9d: {  	_ =	strace $0x8FFFFFFF  }
0x9e: {  	s18 =	sld [smem:$0x3FDB];
	_ =	sdelay $0x1  }
0x9f: {  	s19 =	simm.s32 $_scs_section_size  }
0xa0: {  	s5 =	simm.s32 $_size__tile_overlayer_lowered;
	s6 =	simm.s32 $_tile_overlayer_lowered  }
0xa1: {  	s22 =	simm.s32 $0x1BFF;
	s21 =	sshll.u32 s6, $0x1;
	s3 =	sadd.s32 s19, s18  }
0xa2: {  	s7 =	simm.s32 $0x0;
	s20 =	sshll.u32 s5, $0x1;
	s5 =	sadd.s32 s21, s3  }
0xa3: {  	[timem:s7], [sflag:s22] =	dma.local [hbm:s5], s20  }
0xa4: {  	_ =	swait.ge [sflag:s22], s20  }
0xa5: {  	s4 =	ssub.s32 $0x0, s20;
	[sflag:s22] =	ssyncset.done $0x0  }
0xa6: {  	[sflag:s22] =	ssyncadd.s32 s4;
	_ =	sdelay $0x1  }
0xa7: {  	s23 =	simm.s32 $0x1B8B  }
0xa8: {  	_ =	swait.ge [sflag:s23], $0x1  }
0xa9: {  	[sflag:s23] =	ssyncset.done $0x0  }
0xaa: {  	s25 =	simm.s32 $0x1B8E;
	s24 =	sld [smem:$0x3FFE];
	[sflag:s23] =	ssyncadd.s32 $0xFFFFFFFF  }
0xab: {  	s26 =	simm.s32 $execute0_lowered;
	[smem:$0x3FD2] =	sst s25  }
0xac: {  	s5 =	sshll.u32 s26, $0x1;
	_ =	strace $0x8000004F;
	[dreg:$0x1] =	wrdreg $0xFFFFFFFF  }
0xad: {  	s28 =	simm.s32 $_size_execute0_lowered;
	s3 =	sadd.s32 s3, s5;
	[dreg:$0x0] =	wrdreg $0x0  }
0xae: {  	s5 =	sshll.u32 s28, $0x1;
	[dreg:$0x2] =	wrdreg s3  }
0xaf: {  	[dreg:$0x3] =	wrdreg s5  }
0xb0: {  	[dreg:$0x4] =	wrdreg $0xC0  }
0xb1: {  	_ =	task [dreg:s7], $0x5FFFF  }
0xb2: {  	[dreg:$0x1] =	wrdreg $0xFFFFFFFF  }
0xb3: {  	[dreg:$0x0] =	wrdreg $0x60  }
0xb4: {  	[dreg:$0x2] =	wrdreg s16  }
0xb5: {  	[dreg:$0x3] =	wrdreg s24  }
0xb6: {  	[dreg:$0x4] =	wrdreg $0x9  }
0xb7: {  	_ =	task.clear_ibuf [dreg:s7], $0x5FFFF;
	_ =	strace $0x9000004F  }
0xb8: {  	s29 =	simm.s32 $0x9;
	_ =	strace $0x80000051  }
0xb9: {  	_ =	swait.ge [sflag:s29], $0x1  }
0xba: {  	[sflag:s29] =	ssyncadd.s32 $0xFFFFFFFF  }
0xbb: {  	_ =	strace $0x90000051  }
0xbc: {  	_ =	sfence  }
0xbd: {  	s30 =	sld [smem:$0x0];
	_ =	sdelay $0x2  }
0xbe: {  	s31 =	sshll.u32 s1, $0xD;
	s1 =	sshrl.u32 s1, $0x2  }
0xbf: {  	s3 =	sand.u32 $0x4000, s31;
	s1 =	sadd.s32 s1, s30  }
0xc0: {  	s0 =	sor.u32 s3, s0;
	s1 =	sshll.u32 s1, $0x11  }
0xc1: {  	s0 =	sor.u32 s1, s0  }
0xc2: {  	s0 =	sadd.s32 $0x8F2B, s0  }
0xc3: {  	[sflag:s0] =	ssyncadd.remote.s32 $0x1  }
0xc4: {  	_ =	sfence.sel $0xFFFF  }
0xc5: {  	[dreg:$0x0] =	wrdreg $0xFFFFFFFF;
	(pc) =	sbr.abs _section_cstart, $3  }
0xc6: {  	[dreg:$0x1] =	wrdreg $0xFFFFFFFF  }
0xc7: {  	_ =	task.clear_ibuf [dreg:s7], $0x2FFFF;
	_ =	strace $0x9FFFFFFF  }
0xc8: {  	(tm) =	ssettm $0x7FFFFFFF  }
0xc9: {  	_ =	shalt  }
tec
execute0_lowered:
.L_overlay_start_1:
0x0: {  	(tag) =	ssettag $0x1  }
0x1: {  	s2 =	rddreg [dreg:$0x0]  }
0x2: {  	s4 =	rddreg [dreg:$0x1];
	s3 =	srdreg.scid  }
0x3: {  	s0 =	rddreg [dreg:$0x2];
	s1 =	stileid.u32  }
0x4: {  	s11 =	simm.s32 $0x1;
	s12 =	simm.s32 $0x40;
	s13 =	simm.s32 $0x6000  }
0x5: {  	s14 =	simm.s32 $0x3;
	s15 =	simm.s32 $0x2;
	s16 =	simm.s32 $0x4  }
0x6: {  	s17 =	simm.s32 $0x3FC0;
	s18 =	simm.s32 $0x0;
	s7 =	sand.u32 $0x1, s3  }
0x7: {  	s3 =	simm.s32 $0x0;
	s5 =	sshll.u32 s1, $0xF;
	s9 =	sadd.s32 $0x26200, s4  }
0x8: {  	s30 =	sshll.u32 s1, $0x13;
	s6 =	sshll.u32 s7, $0xE;
	[smem:$0x7FF] =	sst s3  }
0x9: {  	s8 =	ssub.s32 $0x2, s7;
	s31 =	sshll.u32 s7, $0x12;
	s5 =	sor.u32 s6, s5  }
0xa: {  	_ =	strace $0x80000050;
	s29 =	sshrl.u32 s8, $0x1;
	s6 =	sshrl.u32 s5, $0x3  }
0xb: {  	s8 =	ssub.s32 s8, s29;
	s5 =	sshll.u32 s5, $0x4;
	s6 =	sadd.s32 s6, s4  }
0xc: {  	s10 =	sadd.s32 s9, s5;
	s5 =	smax.u32 s8, $0x1;
	s8 =	sadd.s32 s30, s9  }
0xd: {  	s9 =	simm.s32 $0x5;
	s4 =	sadd.s32 $0x6200, s6;
	s6 =	sadd.s32 $0x3F800, s10  }
0xe: {  	s7 =	sadd.s32 $0x3FC00, s10;
	s8 =	sadd.s32 s31, s8;
	s10 =	simm.s32 $0x4000  }
.LBB2_1:
0xf: {  	[tilespmem:s3], [sflag:$0x5] =	stream.linear.gather [hbm4b:s4+s3], $0x4000, $0x38;
	[tilespmem:$0x8000] =	vst v63  }
0x10: {  	_ =	swait.ge [sflag:s9], $0x4000  }
0x11: {  	[sflag:s9] =	ssyncset.done $0x0  }
0x12: {  	[sflag:s9] =	ssyncadd.s32 $0xFFFFC000  }
0x13: {  	[tilespmem:s10], [sflag:$0x1] =	stream.indirect.gather [hbm4b:s2+s12], $0x80, s3, s12, $0xb8;
	[tilespmem:$0x8000] =	vst v63  }
0x14: {  	_ =	swait.ge [sflag:s11], $0x2000  }
0x15: {  	[sflag:s11] =	ssyncset.done $0x0  }
0x16: {  	[sflag:s11] =	ssyncadd.s32 $0xFFFFE000  }
0x17: {  	[tilespmem:s13], [sflag:$0x2] =	stream.indirect.gather [hbm4b:s2+s12], $0x80, s12, s12, $0xb8;
	[tilespmem:$0x8000] =	vst v63  }
0x18: {  	s19 =	sadd.s32 $0x0, s8  }
0x19: {  	[hbm4b:s19+s3] =	stream.linear.scatter [tilespmem:s10], [sflag:$0x3], $0x2000, $0x38;
	[tilespmem:$0x8000] =	vst v63  }
0x1a: {  	_ =	swait.ge [sflag:s14], $0x2000  }
0x1b: {  	[sflag:s14] =	ssyncset.done $0x0  }
0x1c: {  	s20 =	simm.s32 $0x80;
	[sflag:s14] =	ssyncadd.s32 $0xFFFFE000  }
0x1d: {  	[tilespmem:s10], [sflag:$0x1] =	stream.indirect.gather [hbm4b:s2+s12], $0x80, s20, s12, $0xb8;
	[tilespmem:$0x8000] =	vst v63  }
0x1e: {  	_ =	swait.ge [sflag:s15], $0x2000  }
0x1f: {  	[sflag:s15] =	ssyncset.done $0x0  }
0x20: {  	s19 =	sadd.s32 $0x400, s19;
	[sflag:s15] =	ssyncadd.s32 $0xFFFFE000  }
0x21: {  	[hbm4b:s19+s3] =	stream.linear.scatter [tilespmem:s13], [sflag:$0x4], $0x2000, $0x38;
	[tilespmem:$0x8000] =	vst v63  }
0x22: {  	_ =	swait.ge [sflag:s16], $0x2000  }
0x23: {  	s20 =	simm.s32 $0x40;
	s19 =	simm.s32 $0x800;
	[sflag:s16] =	ssyncset.done $0x0  }
.LBB2_2:
0x24: {  	p0 =	sne.s32 s19, $0x3F000;
	[sflag:s16] =	ssyncadd.s32 $0xFFFFE000;
	s20 =	sadd.s32 $0x80, s20  }
0x25: {  	s21 =	smov.u32 s19;
	s19 =	sadd.s32 $0x800, s19;
	_ =	swait.ge [sflag:s11], $0x2000  }
0x26: {  	[sflag:s11] =	ssyncset.done $0x0  }
0x27: {  	[sflag:s11] =	ssyncadd.s32 $0xFFFFE000  }
0x28: {  	[tilespmem:s13], [sflag:$0x2] =	stream.indirect.gather [hbm4b:s2+s12], $0x80, s20, s12, $0xb8;
	[tilespmem:$0x8000] =	vst v63  }
0x29: {  	s21 =	sadd.s32 s21, s8  }
0x2a: {  	[hbm4b:s21+s3] =	stream.linear.scatter [tilespmem:s10], [sflag:$0x3], $0x2000, $0x38;
	[tilespmem:$0x8000] =	vst v63  }
0x2b: {  	_ =	swait.ge [sflag:s14], $0x2000  }
0x2c: {  	[sflag:s14] =	ssyncset.done $0x0  }
0x2d: {  	s22 =	sadd.s32 $0x40, s20;
	[sflag:s14] =	ssyncadd.s32 $0xFFFFE000  }
0x2e: {  	[tilespmem:s10], [sflag:$0x1] =	stream.indirect.gather [hbm4b:s2+s12], $0x80, s22, s12, $0xb8;
	[tilespmem:$0x8000] =	vst v63  }
0x2f: {  	_ =	swait.ge [sflag:s15], $0x2000  }
.Ltmp0:
0x30: {  	[sflag:s15] =	ssyncset.done $0x0;
	(pc) =	sbr.rel @p0 .LBB2_2-.Ltmp0, $4  }
0x31: {  	s21 =	sadd.s32 $0x400, s21;
	[sflag:s15] =	ssyncadd.s32 $0xFFFFE000  }
0x32: {  	[hbm4b:s21+s3] =	stream.linear.scatter [tilespmem:s13], [sflag:$0x4], $0x2000, $0x38;
	[tilespmem:$0x8000] =	vst v63  }
0x33: {  	_ =	swait.ge [sflag:s16], $0x2000  }
0x34: {  	[sflag:s16] =	ssyncset.done $0x0  }
0x35: {  	[sflag:s16] =	ssyncadd.s32 $0xFFFFE000  }
0x36: {  	_ =	swait.ge [sflag:s11], $0x2000  }
0x37: {  	[sflag:s11] =	ssyncset.done $0x0  }
0x38: {  	[sflag:s11] =	ssyncadd.s32 $0xFFFFE000  }
0x39: {  	[tilespmem:s13], [sflag:$0x2] =	stream.indirect.gather [hbm4b:s2+s12], $0x80, s17, s12, $0xb8;
	[tilespmem:$0x8000] =	vst v63  }
0x3a: {  	_ = 	snop  }
0x3b: {  	[hbm4b:s6+s3] =	stream.linear.scatter [tilespmem:s10], [sflag:$0x3], $0x2000, $0x38;
	[tilespmem:$0x8000] =	vst v63  }
0x3c: {  	_ =	swait.ge [sflag:s14], $0x2000  }
0x3d: {  	[sflag:s14] =	ssyncset.done $0x0  }
0x3e: {  	[sflag:s14] =	ssyncadd.s32 $0xFFFFE000  }
0x3f: {  	s18 =	sadd.s32 $0x1, s18;
	_ =	swait.ge [sflag:s15], $0x2000  }
0x40: {  	p0 =	sne.s32 s18, s5;
	[sflag:s15] =	ssyncset.done $0x0  }
.Ltmp1:
0x41: {  	[sflag:s15] =	ssyncadd.s32 $0xFFFFE000;
	(pc) =	sbr.rel @p0 .LBB2_1-.Ltmp1, $4  }
0x42: {  	[hbm4b:s7+s3] =	stream.linear.scatter [tilespmem:s13], [sflag:$0x4], $0x2000, $0x38;
	[tilespmem:$0x8000] =	vst v63  }
0x43: {  	_ =	swait.ge [sflag:s16], $0x2000  }
0x44: {  	[sflag:s16] =	ssyncset.done $0x0  }
0x45: {  	[sflag:s16] =	ssyncadd.s32 $0xFFFFE000  }
0x46: {  	_ =	sfence.sel $0x180000  }
0x47: {  	[bflag:$0x0] =	sbarrier.arrive $0xFFFF  }
0x48: {  	p0 =	sne.s32 s1, $0x0;
	_ =	strace $0x90000050  }
0x49: {  	s0 =	sadd.s32 @!p0 $0x100000, s0;
	[bflag:$0x2] =	sbarrier.arrive $0xFFFF  }
0x4a: {  	[sflag:s0] =	ssyncadd.tile.s32 @!p0 $0x1;
	_ =	shalt  }
.Lfunc_end2:
_tile_overlayer_lowered:
.L_overlay_start_2:
0x4b: {  	(tag) =	ssettag $0x2  }
0x4c: {  	s0 =	rddreg [dreg:$0x0];
	s2 =	stileid.u32  }
0x4d: {  	s1 =	rddreg [dreg:$0x1];
	p0 =	sne.s32 s2, $0x0  }
0x4e: {  	s3 =	rddreg [dreg:$0x2];
	[bflag:$0x3] =	sbarrier.arrive $0xFFFF;
	s2 =	simm.s32 @!p0 $0x1C05  }
0x4f: {  	[timem:s3], [sflag:s2] =	dma.local @!p0 [hbm:s0], s1  }
0x50: {  	s0 =	simm.s32 @!p0 $0x5  }
0x51: {  	_ =	swait.ge @!p0 [sflag:s0], s1  }
0x52: {  	s1 =	ssub.s32 @!p0 $0x0, s1;
	[sflag:s0] =	ssyncset.done @!p0 $0x0  }
0x53: {  	[sflag:s0] =	ssyncadd.s32 @!p0 s1  }
0x54: {  	[bflag:$0x3] =	sbarrier.arrive $0xFFFF  }
0x55: {  	_ =	shalt  }

// kernel: scatter_offload_async_start
scs
__scs_entry_jumppad:
0x0: {  	(pc) =	sbr.rel $0x88, $3  }
0x1: {  	(tag) =	ssettag $0x0;
	lr =	simm.s32 $0x1  }
0x2: {  	[smem:$0x3F93] =	sst lr;
	_ =	strace $0xD0000000  }
0x3: {  	_ = 	snop  }
0x4: {  	_ = 	snop  }
0x5: {  	_ = 	snop  }
0x6: {  	_ = 	snop  }
0x7: {  	_ = 	snop  }
__scs_overlays_trampoline_lowered:
0x8: {  	[smem:$0x3FA2] =	sst s0  }
0x9: {  	[smem:$0x3FA3] =	sst s1  }
0xa: {  	[smem:$0x3FA4] =	sst s2  }
0xb: {  	[smem:$0x3FA5] =	sst s3  }
0xc: {  	[smem:$0x3FA6] =	sst s4  }
0xd: {  	[smem:$0x3FA7] =	sst s5  }
0xe: {  	[smem:$0x3FA8] =	sst s6  }
0xf: {  	[smem:$0x3FA9] =	sst s7  }
0x10: {  	[smem:$0x3FAA] =	sst s8  }
0x11: {  	[smem:$0x3FAB] =	sst s9;
	s0 =	simm.s32 @!p0 $0x0  }
0x12: {  	s1 =	sld [smem:$0x3F91];
	s0 =	simm.s32 @p0 $0x1  }
0x13: {  	[smem:$0x3FAC] =	sst s0;
	s0 =	simm.s32 @!p1 $0x0  }
0x14: {  	s2 =	sld [smem:$0x3F90];
	s0 =	simm.s32 @p1 $0x1  }
0x15: {  	[smem:$0x3FAD] =	sst s0;
	s0 =	simm.s32 @!p2 $0x0  }
0x16: {  	s3 =	sld [smem:$0x3FDB];
	s0 =	simm.s32 @p2 $0x1  }
0x17: {  	s4 =	simm.s32 $0x1BF5;
	[smem:$0x3FAF] =	sst s0  }
0x18: {  	s0 =	sld [smem:$0x3F92];
	_ =	swait.ge [sflag:s4], $0x0  }
0x19: {  	s7 =	sld [smem:$0x3F93]  }
0x1a: {  	s8 =	sadd.s32 $0xFFFFE003, lr  }
0x1b: {  	s9 =	sadd.s32 $0xFFFFFEF7, lr;
	s5 =	simm.s32 $0xFFFFFFFF;
	p2 =	slt.u32 s8, $0xFFFFF086  }
0x1c: {  	p1 =	slt.u32 s9, $0xF7A;
	s5 =	simm.s32 @!p2 $0x0  }
0x1d: {  	s5 =	simm.s32 @p1 $0x1;
	p0 =	seq.s32 s7, s2  }
0x1e: {  	s7 =	smul.u32 @!p0 $0xF7A, s2;
	p2 =	seq.s32 @!p0 s5, $0x0  }
0x1f: {  	s9 =	smul.u32 $0xF7A, s1;
	s8 =	simm.s32 @!p0 $0x1BF5;
	p2 =	por !p2, p0  }
0x20: {  	[sflag:s8] =	ssyncset.s32 @!p0 $0xFFFFF086;
	s6 =	sadd.s32 @!p0 s3, s7;
	s7 =	simm.s32 @!p0 $0x108  }
0x21: {  	s3 =	sadd.s32 s3, s9;
	s6 =	sadd.s32 @!p0 $0x88, s6;
	s7 =	simm.s32 @p2 $0x1082  }
0x22: {  	[simem:s7], [sflag:s8] =	dma.local @!p0 [hbm:s6], $0xF7A  }
0x23: {  	s9 =	sor.u32 $0xD0000000, s2;
	s6 =	simm.s32 $0x108;
	_ =	swait.ge @!p0 [sflag:s8], $0x0  }
0x24: {  	s3 =	sadd.s32 $0x88, s3;
	s6 =	simm.s32 @!p1 $0x1082;
	[sflag:s4] =	ssyncset.s32 $0xFFFFF086  }
0x25: {  	[simem:s6], [sflag:s4] =	dma.local [hbm:s3], $0xF7A  }
0x26: {  	[smem:$0x3F93] =	sst s1;
	(tag) =	ssettag s2;
	_ =	strace s9  }
0x27: {  	s1 =	sld [smem:$0x3FA3]  }
0x28: {  	s2 =	sld [smem:$0x3FA4]  }
0x29: {  	s4 =	sld [smem:$0x3FA6]  }
0x2a: {  	p0 =	seq.s32 s5, $0x0;
	s5 =	sld [smem:$0x3FA7]  }
0x2b: {  	s6 =	sld [smem:$0x3FA8]  }
0x2c: {  	s7 =	sld [smem:$0x3FA9]  }
0x2d: {  	s3 =	simm.s32 $0x108;
	s8 =	sld [smem:$0x3FAA]  }
0x2e: {  	s3 =	simm.s32 @!p0 $0x1082;
	s9 =	sld [smem:$0x3FAB]  }
0x2f: {  	lr =	sadd.s32 s0, s3;
	s0 =	sld [smem:$0x3FA2]  }
0x30: {  	s3 =	sld [smem:$0x3FA5]  }
0x31: {  	[smem:$0x3FAE] =	sst s10  }
0x32: {  	s10 =	sld [smem:$0x3FAC];
	_ =	sdelay $0x3  }
0x33: {  	p0 =	seq.s32 s10, $0x1;
	s10 =	sld [smem:$0x3FAE];
	_ =	sdelay $0x3  }
0x34: {  	[smem:$0x3FAE] =	sst s10  }
0x35: {  	s10 =	sld [smem:$0x3FAD];
	_ =	sdelay $0x3  }
0x36: {  	p1 =	seq.s32 s10, $0x1;
	s10 =	sld [smem:$0x3FAE];
	_ =	sdelay $0x3  }
0x37: {  	[smem:$0x3FAE] =	sst s10  }
0x38: {  	s10 =	sld [smem:$0x3FAF]  }
0x39: {  	_ = 	snop;
	(pc) =	sbr.ind lr, $3  }
0x3a: {  	_ = 	snop  }
0x3b: {  	_ = 	snop  }
0x3c: {  	p2 =	seq.s32 s10, $0x1;
	s10 =	sld [smem:$0x3FAE]  }
0x3d: {  	_ =	shalt  }
0x3e: {  	_ =	shalt  }
0x3f: {  	_ =	shalt  }
0x40: {  	_ =	shalt  }
0x41: {  	_ =	shalt  }
0x42: {  	_ =	shalt  }
0x43: {  	_ =	shalt  }
0x44: {  	_ =	shalt  }
0x45: {  	_ =	shalt  }
0x46: {  	_ =	shalt  }
0x47: {  	_ =	shalt  }
0x48: {  	_ =	shalt  }
0x49: {  	_ =	shalt  }
0x4a: {  	_ =	shalt  }
0x4b: {  	_ =	shalt  }
0x4c: {  	_ =	shalt  }
0x4d: {  	_ =	shalt  }
0x4e: {  	_ =	shalt  }
0x4f: {  	_ =	shalt  }
0x50: {  	_ =	shalt  }
0x51: {  	_ =	shalt  }
0x52: {  	_ =	shalt  }
0x53: {  	_ =	shalt  }
0x54: {  	_ =	shalt  }
0x55: {  	_ =	shalt  }
0x56: {  	_ =	shalt  }
0x57: {  	_ =	shalt  }
0x58: {  	_ =	shalt  }
0x59: {  	_ =	shalt  }
0x5a: {  	_ =	shalt  }
0x5b: {  	_ =	shalt  }
0x5c: {  	_ =	shalt  }
0x5d: {  	_ =	shalt  }
0x5e: {  	_ =	shalt  }
0x5f: {  	_ =	shalt  }
0x60: {  	_ =	shalt  }
0x61: {  	_ =	shalt  }
0x62: {  	_ =	shalt  }
0x63: {  	_ =	shalt  }
0x64: {  	_ =	shalt  }
0x65: {  	_ =	shalt  }
0x66: {  	_ =	shalt  }
0x67: {  	_ =	shalt  }
0x68: {  	_ =	shalt  }
0x69: {  	_ =	shalt  }
0x6a: {  	_ =	shalt  }
0x6b: {  	_ =	shalt  }
0x6c: {  	_ =	shalt  }
0x6d: {  	_ =	shalt  }
0x6e: {  	_ =	shalt  }
0x6f: {  	_ =	shalt  }
0x70: {  	_ =	shalt  }
0x71: {  	_ =	shalt  }
0x72: {  	_ =	shalt  }
0x73: {  	_ =	shalt  }
0x74: {  	_ =	shalt  }
0x75: {  	_ =	shalt  }
0x76: {  	_ =	shalt  }
0x77: {  	_ =	shalt  }
0x78: {  	_ =	shalt  }
0x79: {  	_ =	shalt  }
0x7a: {  	_ =	shalt  }
0x7b: {  	_ =	shalt  }
0x7c: {  	_ =	shalt  }
0x7d: {  	_ =	shalt  }
0x7e: {  	_ =	shalt  }
0x7f: {  	_ =	shalt  }
0x80: {  	_ =	shalt  }
0x81: {  	_ =	shalt  }
0x82: {  	_ =	shalt  }
0x83: {  	_ =	shalt  }
0x84: {  	_ =	shalt  }
0x85: {  	_ =	shalt  }
0x86: {  	_ =	shalt  }
0x87: {  	_ =	shalt  }
.Lfunc_end0:
.L_simem_size_0:
called_computation_lowered:
.L_overlay_start_0:
0x88: {  	s0 =	sld [smem:$0x3FD9]  }
0x89: {  	s1 =	sld [smem:$0x3FFE];
	_ =	sdelay $0x3  }
0x8a: {  	s0 =	sadd.s32 s1, s0  }
0x8b: {  	[smem:$0x3FBA] =	sst s0  }
0x8c: {  	_ = 	snop  }
0x8d: {  	(tm) =	ssettm $0x1  }
0x8e: {  	s15 =	sld [smem:$0x3FFB];
	_ =	sdelay $0x3  }
0x8f: {  	_ =	strace s15  }
0x90: {  	s0 =	sld [smem:$0x3FFC];
	_ =	sdelay $0x3  }
0x91: {  	_ =	strace s0  }
0x92: {  	s0 =	sld [smem:$0x3FFD];
	_ =	sdelay $0x3  }
0x93: {  	_ =	strace s0  }
0x94: {  	_ =	strace $0x8FFFFFFF  }
0x95: {  	s16 =	sld [smem:$0x3FDB];
	_ =	sdelay $0x1  }
0x96: {  	s17 =	simm.s32 $_scs_section_size  }
0x97: {  	s2 =	simm.s32 $_size__tile_overlayer_lowered;
	s3 =	simm.s32 $_tile_overlayer_lowered  }
0x98: {  	s20 =	simm.s32 $0x1BFF;
	s19 =	sshll.u32 s3, $0x1;
	s0 =	sadd.s32 s17, s16  }
0x99: {  	s4 =	simm.s32 $0x0;
	s18 =	sshll.u32 s2, $0x1;
	s2 =	sadd.s32 s19, s0  }
0x9a: {  	[timem:s4], [sflag:s20] =	dma.local [hbm:s2], s18  }
0x9b: {  	_ =	swait.ge [sflag:s20], s18  }
0x9c: {  	s1 =	ssub.s32 $0x0, s18;
	[sflag:s20] =	ssyncset.done $0x0  }
0x9d: {  	[sflag:s20] =	ssyncadd.s32 s1;
	_ =	sdelay $0x1  }
0x9e: {  	s21 =	simm.s32 $0x1B8B  }
0x9f: {  	_ =	swait.ge [sflag:s21], $0x1  }
0xa0: {  	[sflag:s21] =	ssyncset.done $0x0  }
0xa1: {  	s23 =	simm.s32 $0x1B8E;
	s22 =	sld [smem:$0x3FFE];
	[sflag:s21] =	ssyncadd.s32 $0xFFFFFFFF  }
0xa2: {  	s24 =	simm.s32 $execute0_lowered;
	[smem:$0x3FD2] =	sst s23  }
0xa3: {  	s2 =	sshll.u32 s24, $0x1;
	_ =	strace $0x8000004C;
	[dreg:$0x1] =	wrdreg $0xFFFFFFFF  }
0xa4: {  	s25 =	simm.s32 $_size_execute0_lowered;
	s0 =	sadd.s32 s0, s2;
	[dreg:$0x0] =	wrdreg $0x0  }
0xa5: {  	s2 =	sshll.u32 s25, $0x1;
	[dreg:$0x2] =	wrdreg s0  }
0xa6: {  	[dreg:$0x3] =	wrdreg s2  }
0xa7: {  	[dreg:$0x4] =	wrdreg $0xC0  }
0xa8: {  	_ =	task [dreg:s4], $0x5FFFF  }
0xa9: {  	[dreg:$0x1] =	wrdreg $0xFFFFFFFF  }
0xaa: {  	[dreg:$0x0] =	wrdreg $0x60  }
0xab: {  	[dreg:$0x2] =	wrdreg s22  }
0xac: {  	[dreg:$0x3] =	wrdreg $0x9  }
0xad: {  	_ =	task.clear_ibuf [dreg:s4], $0x4FFFF;
	_ =	strace $0x9000004C  }
0xae: {  	s26 =	simm.s32 $0x9;
	_ =	strace $0x8000004E  }
0xaf: {  	_ =	swait.ge [sflag:s26], $0x1  }
0xb0: {  	[sflag:s26] =	ssyncadd.s32 $0xFFFFFFFF  }
0xb1: {  	_ =	strace $0x9000004E  }
0xb2: {  	_ =	sfence  }
0xb3: {  	s28 =	sld [smem:$0x0];
	_ =	sdelay $0x1  }
0xb4: {  	s29 =	srdreg.scid  }
0xb5: {  	s30 =	sshll.u32 s29, $0xD;
	s31 =	sshrl.u32 s29, $0x2  }
0xb6: {  	s1 =	sand.u32 $0x1, s29;
	s2 =	sand.u32 $0x4000, s30;
	s0 =	sadd.s32 s31, s28  }
0xb7: {  	s1 =	sor.u32 s2, s1;
	s0 =	sshll.u32 s0, $0x11  }
0xb8: {  	s0 =	sor.u32 s0, s1  }
0xb9: {  	s0 =	sadd.s32 $0x8F2B, s0  }
0xba: {  	[sflag:s0] =	ssyncadd.remote.s32 $0x1  }
0xbb: {  	_ =	sfence.sel $0xFFFF  }
0xbc: {  	[dreg:$0x0] =	wrdreg $0xFFFFFFFF;
	(pc) =	sbr.abs _section_cstart, $3  }
0xbd: {  	[dreg:$0x1] =	wrdreg $0xFFFFFFFF  }
0xbe: {  	_ =	task.clear_ibuf [dreg:s4], $0x2FFFF;
	_ =	strace $0x9FFFFFFF  }
0xbf: {  	(tm) =	ssettm $0x7FFFFFFF  }
tec
execute0_lowered:
.L_overlay_start_1:
0x0: {  	(tag) =	ssettag $0x1  }
0x1: {  	s7 =	rddreg [dreg:$0x0]  }
0x2: {  	s0 =	rddreg [dreg:$0x1];
	_ =	strace $0x8000004D  }
0x3: {  	s3 =	stileid.u32;
	s4 =	simm.s32 $0x3E;
	s1 =	sadd.s32 $0xBEE400, s7  }
0x4: {  	p0 =	sne.s32 s3, $0x0;
	[sflag:s4] =	ssyncpa.u1 $0x0;
	s29 =	smul.u32 $0x30D, s3  }
0x5: {  	s30 =	smin.u32 s3, $0x4;
	s2 =	simm.s32 @!p0 $0x1C3E;
	s5 =	simm.s32 @!p0 $0x0  }
0x6: {  	[spmem:s5], [sflag:s2] =	dma.local @!p0 [hbm:s1], $0x10000  }
0x7: {  	s2 =	sadd.s32 s30, s29  }
0x8: {  	p1 =	slt.u32 s3, $0x4;
	s3 =	simm.s32 $0x5F7580;
	s2 =	smul.u32 $0x1F40, s2  }
0x9: {  	s3 =	simm.s32 @!p1 $0x5F5640  }
0xa: {  	s3 =	sadd.s32 s3, s2  }
0xb: {  	s3 =	smin.u32 s3, $0x5F5E100  }
0xc: {  	s8 =	ssub.s32 s3, s2  }
0xd: {  	p1 =	sgt.s32 s8, $0x0  }
0xe: {  	s8 =	simm.s32 @!p1 $0x0  }
0xf: {  	s5 =	simm.s32 @!p0 $0x3E;
	s31 =	smulhi.u32 $0x10624DD3, s8  }
0x10: {  	_ =	swait.ge @!p0 [sflag:s5], $0x10000  }
0x11: {  	s6 =	simm.s32 $0x2;
	[sflag:s5] =	ssyncset.done @!p0 $0x0;
	s9 =	sshrl.u32 s31, $0x9  }
0x12: {  	s11 =	simm.s32 $0x0;
	[sflag:s5] =	ssyncadd.s32 @!p0 $0xFFFF0000;
	s10 =	smul.u32 $0x1F40, s9  }
.Ltmp0:
0x13: {  	s5 =	sadd.s32 $0x2200, s7;
	[bflag:$0x0] =	sbarrier.arrive $0xFFFF;
	(pc) =	sbr.rel .LBB2_1-.Ltmp0, $4  }
0x14: {  	s7 =	sadd.s32 $0xC10400, s7;
	[sflag:s4] =	ssyncpa.u1 $0x1;
	s4 =	simm.s32 $0x1  }
0x15: {  	[sflag:s4] =	ssyncpa.u1 $0x0;
	p1 =	sne.s32 s8, s10;
	s8 =	simm.s32 $0x1  }
0x16: {  	(ifvalue) =	ssetifvalue $0x80000;
	[sflag:s6] =	ssyncpa.u1 $0x0;
	s8 =	simm.s32 @!p1 $0x0  }
0x17: {  	vm0 =	vmmov $0xffff;
	s10 =	smov.u32 s2;
	s8 =	sadd.s32 s8, s9;
	s9 =	simm.s32 $0x0  }
.LBB2_5:
0x18: {  	p2 =	sne.s32 s11, s8  }
.Ltmp1:
0x19: {  	_ = 	snop;
	(pc) =	sbr.rel @!p2 .LBB2_6-.Ltmp1, $4  }
0x1a: {  	_ = 	snop  }
0x1b: {  	s12 =	sadd.s32 $0x1F40, s10  }
0x1c: {  	s10 =	smov.u32 s2;
	s13 =	sadd.s32 $0x1, s11;
	p1 =	slt.s32 s12, s3  }
0x1d: {  	s11 =	smov.u32 s13;
	s10 =	smov.u32 @p1 s12  }
.LBB2_1:
0x1e: {  	p1 =	sge.u32 s11, s8  }
0x1f: {  	s12 =	sxor.u32 @!p1 $0xFFFFFFFF, s11  }
0x20: {  	s12 =	sand.u32 @!p1 $0x1, s12  }
0x21: {  	s12 =	smul.u32 @!p1 $0x1F40, s12  }
0x22: {  	s13 =	sshrl.u32 @!p1 s10, $0x3  }
0x23: {  	s16 =	sand.u32 @!p1 $0x7, s10;
	s14 =	sadd.s32 @!p1 s5, s13;
	s15 =	sor.u32 @!p1 $0x8000, s12  }
0x24: {  	[tilespmem:s15], [sflag:$0x2] =	stream.linear.gather @!p1 [hbm4b:s14+s16], $0x1F40, $0x38;
	[tilespmem:$0xFD00] =	vst v63  }
0x25: {  	s13 =	sadd.s32 @!p1 s7, s13;
	s12 =	sadd.s32 @!p1 $0xBE80, s12  }
0x26: {  	[tilespmem:s12], [sflag:$0x2] =	stream.linear.gather @!p1 [hbm4b:s13+s16], $0x1F40, $0x38;
	[tilespmem:$0xFD00] =	vst v63  }
0x27: {  	p1 =	seq.s32 s11, $0x0  }
.Ltmp2:
0x28: {  	_ = 	snop;
	(pc) =	sbr.rel @p1 .LBB2_5-.Ltmp2, $1  }
0x29: {  	_ =	sdelay $0x3  }
0x2a: {  	s12 =	sand.u32 $0x1, s11  }
0x2b: {  	_ =	swait.ge [sflag:s6], $0x3E80;
	p1 =	seq.s32 s12, $0x1;
	s12 =	simm.s32 $0x1F40  }
0x2c: {  	[sflag:s6] =	ssyncset.done $0x0;
	s12 =	simm.s32 @!p1 $0x0  }
0x2d: {  	[sflag:s6] =	ssyncadd.s32 $0xFFFFC180;
	s14 =	sor.u32 $0x8000, s12  }
0x2e: {  	v0 =	vld.msk [tilespmem:s14+$0x0 ss:$0x1], $0xffff;
	_ =	sdelay $0x4  }
0x2f: {  	v0 =	vmin.u32 v0, $0x80000;
	_ =	sdelay $0x3  }
0x30: {  	s13 =	simm.s32 $0x0;
	s12 =	sadd.s32 $0xBE80, s12;
	s14 =	sadd.s32 $0x10, s14  }
0x31: {  	[spmem:s9] =	stream.indirect_vreg.scatter.add.s32 [tilespmem:s12], [sflag:$0x1], $0x1, v0, vm0, $0x4038;
	[tilespmem:$0xFD00] =	vst v63  }
.LBB2_3:
0x32: {  	v0 =	vld.msk [tilespmem:s14+$0x0 ss:$0x1], $0xffff;
	s13 =	sadd.s32 $0x10, s13  }
0x33: {  	p1 =	slt.u32 s13, $0x1F30;
	_ =	sdelay $0x4  }
0x34: {  	v0 =	vmin.u32 v0, $0x80000  }
.Ltmp3:
0x35: {  	(pc) =	sbr.rel @p1 .LBB2_3-.Ltmp3, $3  }
0x36: {  	_ =	sdelay $0x1  }
0x37: {  	s14 =	sadd.s32 $0x10, s14;
	s12 =	sadd.s32 $0x10, s12  }
0x38: {  	[spmem:s9] =	stream.indirect_vreg.scatter.add.s32 [tilespmem:s12], [sflag:$0x1], $0x1, v0, vm0, $0x4038;
	[tilespmem:$0xFD00] =	vst v63  }
.Ltmp4:
0x39: {  	(pc) =	sbr.rel .LBB2_5-.Ltmp4, $4  }
0x3a: {  	_ = 	snop  }
0x3b: {  	_ =	swait.ge [sflag:s4], $0x1F40  }
0x3c: {  	[sflag:s4] =	ssyncset.done $0x0  }
0x3d: {  	[sflag:s4] =	ssyncadd.s32 $0xFFFFE0C0  }
.LBB2_6:
0x3e: {  	_ =	sfence.sel $0x180000  }
0x3f: {  	s2 =	simm.s32 $0x2;
	[bflag:$0x0] =	sbarrier.arrive $0xFFFF  }
0x40: {  	s30 =	simm.s32 $0x1;
	[sflag:s2] =	ssyncpa.u1 $0x1  }
0x41: {  	[sflag:s30] =	ssyncpa.u1 $0x1  }
0x42: {  	_ =	sfence.stream.spmem  }
0x43: {  	s31 =	simm.s32 $0x3D;
	[bflag:$0x0] =	sbarrier.arrive $0xFFFF  }
0x44: {  	s2 =	simm.s32 @p0 $0x3D;
	[sflag:s31] =	ssyncpa.u1 $0x0  }
0x45: {  	[sflag:s2] =	ssyncpa.u1 @p0 $0x1  }
0x46: {  	[bflag:$0x0] =	sbarrier.arrive @p0 $0xFFFF  }
0x47: {  	_ =	strace @p0 $0x9000004D  }
0x48: {  	s3 =	simm.s32 @!p0 $0x1C3D;
	s2 =	simm.s32 @!p0 $0x0;
	[bflag:$0x2] =	sbarrier.arrive @p0 $0xFFFF  }
0x49: {  	[hbm:s1], [sflag:s3] =	dma.local @!p0 [spmem:s2], $0x10000  }
0x4a: {  	s1 =	simm.s32 @!p0 $0x3D  }
0x4b: {  	_ =	swait.ge @!p0 [sflag:s1], $0x10000  }
0x4c: {  	[sflag:s1] =	ssyncset.done @!p0 $0x0  }
0x4d: {  	[sflag:s1] =	ssyncadd.s32 @!p0 $0xFFFF0000  }
0x4e: {  	[sflag:s1] =	ssyncpa.u1 @!p0 $0x1  }
0x4f: {  	[bflag:$0x0] =	sbarrier.arrive @!p0 $0xFFFF  }
0x50: {  	_ =	strace @!p0 $0x9000004D  }
0x51: {  	s0 =	sadd.s32 @!p0 $0x100000, s0;
	[bflag:$0x2] =	sbarrier.arrive @!p0 $0xFFFF  }
0x52: {  	[sflag:s0] =	ssyncadd.tile.s32 @!p0 $0x1;
	_ =	shalt  }
.Lfunc_end2:
_tile_overlayer_lowered:
.L_overlay_start_2:
0x53: {  	(tag) =	ssettag $0x2  }
0x54: {  	s0 =	rddreg [dreg:$0x0];
	s2 =	stileid.u32  }
0x55: {  	s1 =	rddreg [dreg:$0x1];
	p0 =	sne.s32 s2, $0x0  }
0x56: {  	s3 =	rddreg [dreg:$0x2];
	[bflag:$0x3] =	sbarrier.arrive $0xFFFF;
	s2 =	simm.s32 @!p0 $0x1C01  }
0x57: {  	[timem:s3], [sflag:s2] =	dma.local @!p0 [hbm:s0], s1  }
0x58: {  	s0 =	simm.s32 @!p0 $0x1  }
0x59: {  	_ =	swait.ge @!p0 [sflag:s0], s1  }
0x5a: {  	s1 =	ssub.s32 @!p0 $0x0, s1;
	[sflag:s0] =	ssyncset.done @!p0 $0x0  }
0x5b: {  	[sflag:s0] =	ssyncadd.s32 @!p0 s1  }
0x5c: {  	[bflag:$0x3] =	sbarrier.arrive $0xFFFF  }
0x5d: {  	_ =	shalt  }

// kernel: sparse-core-data-format-call.1.cloned.1.call-start
scs
called_computation.2_lowered:
.L_overlay_start_0:
0x0: {  	s1 =	sld [smem:$0x3FD9]  }
0x1: {  	s2 =	sld [smem:$0x3FFE];
	_ =	sdelay $0x1  }
0x2: {  	s3 =	srdreg.scid  }
0x3: {  	s0 =	sand.u32 $0x1, s3  }
0x4: {  	s17 =	sshll.u32 s0, $0xA;
	s1 =	sadd.s32 s2, s1  }
0x5: {  	s1 =	sadd.s32 s1, s17  }
0x6: {  	[smem:$0x3FBA] =	sst s1  }
0x7: {  	_ = 	snop  }
0x8: {  	(tm) =	ssettm $0x1  }
0x9: {  	s18 =	sld [smem:$0x3FFB];
	_ =	sdelay $0x3  }
0xa: {  	_ =	strace s18  }
0xb: {  	s1 =	sld [smem:$0x3FFC];
	_ =	sdelay $0x3  }
0xc: {  	_ =	strace s1  }
0xd: {  	s1 =	sld [smem:$0x3FFD];
	_ =	sdelay $0x3  }
0xe: {  	_ =	strace s1  }
0xf: {  	_ =	strace $0x8FFFFFFF  }
0x10: {  	s19 =	sld [smem:$0x3FDB];
	_ =	sdelay $0x1  }
0x11: {  	s20 =	simm.s32 $_scs_section_size  }
0x12: {  	s4 =	simm.s32 $_size__tile_overlayer_lowered;
	s5 =	simm.s32 $_tile_overlayer_lowered  }
0x13: {  	s23 =	simm.s32 $0x1BFF;
	s22 =	sshll.u32 s5, $0x1;
	s1 =	sadd.s32 s20, s19  }
0x14: {  	s6 =	simm.s32 $0x0;
	s21 =	sshll.u32 s4, $0x1;
	s4 =	sadd.s32 s22, s1  }
0x15: {  	[timem:s6], [sflag:s23] =	dma.local [hbm:s4], s21  }
0x16: {  	_ =	swait.ge [sflag:s23], s21  }
0x17: {  	s2 =	ssub.s32 $0x0, s21;
	[sflag:s23] =	ssyncset.done $0x0  }
0x18: {  	[sflag:s23] =	ssyncadd.s32 s2;
	_ =	sdelay $0x1  }
0x19: {  	s24 =	simm.s32 $0x1B8B  }
0x1a: {  	_ =	swait.ge [sflag:s24], $0x1  }
0x1b: {  	[sflag:s24] =	ssyncset.done $0x0  }
0x1c: {  	s26 =	simm.s32 $0x1B8E;
	s25 =	sld [smem:$0x3FFE];
	[sflag:s24] =	ssyncadd.s32 $0xFFFFFFFF  }
0x1d: {  	s27 =	simm.s32 $execute0_lowered;
	[smem:$0x3FD2] =	sst s26  }
0x1e: {  	s4 =	sshll.u32 s27, $0x1;
	_ =	strace $0x80000046;
	[dreg:$0x1] =	wrdreg $0xFFFFFFFF  }
0x1f: {  	s28 =	simm.s32 $_size_execute0_lowered;
	s1 =	sadd.s32 s1, s4;
	[dreg:$0x0] =	wrdreg $0x0  }
0x20: {  	s4 =	sshll.u32 s28, $0x1;
	[dreg:$0x2] =	wrdreg s1  }
0x21: {  	[dreg:$0x3] =	wrdreg s4  }
0x22: {  	[dreg:$0x4] =	wrdreg $0xC0  }
0x23: {  	_ =	task [dreg:s6], $0x5FFFF  }
0x24: {  	[dreg:$0x1] =	wrdreg $0xFFFFFFFF  }
0x25: {  	[dreg:$0x0] =	wrdreg $0x60  }
0x26: {  	[dreg:$0x2] =	wrdreg s25  }
0x27: {  	[dreg:$0x3] =	wrdreg $0x9  }
0x28: {  	_ =	task.clear_ibuf [dreg:s6], $0x4FFFF;
	_ =	strace $0x90000046  }
0x29: {  	s29 =	simm.s32 $0x9;
	_ =	strace $0x80000048  }
0x2a: {  	_ =	swait.ge [sflag:s29], $0x1  }
0x2b: {  	[sflag:s29] =	ssyncadd.s32 $0xFFFFFFFF  }
0x2c: {  	_ =	strace $0x90000048  }
0x2d: {  	_ =	sfence  }
0x2e: {  	s30 =	sld [smem:$0x0];
	_ =	sdelay $0x2  }
0x2f: {  	s31 =	sshll.u32 s3, $0xD;
	s3 =	sshrl.u32 s3, $0x2  }
0x30: {  	s2 =	sand.u32 $0x4000, s31;
	s1 =	sadd.s32 s3, s30  }
0x31: {  	s0 =	sor.u32 s2, s0;
	s1 =	sshll.u32 s1, $0x11  }
0x32: {  	s0 =	sor.u32 s1, s0  }
0x33: {  	s0 =	sadd.s32 $0x8F2B, s0  }
0x34: {  	[sflag:s0] =	ssyncadd.remote.s32 $0x1  }
0x35: {  	_ =	sfence.sel $0xFFFF  }
0x36: {  	[dreg:$0x0] =	wrdreg $0xFFFFFFFF;
	(pc) =	sbr.abs _section_cstart, $3  }
0x37: {  	[dreg:$0x1] =	wrdreg $0xFFFFFFFF  }
0x38: {  	_ =	task.clear_ibuf [dreg:s6], $0x2FFFF;
	_ =	strace $0x9FFFFFFF  }
0x39: {  	(tm) =	ssettm $0x7FFFFFFF  }
tec
execute0_lowered:
.L_overlay_start_1:
0x0: {  	(tag) =	ssettag $0x1  }
0x1: {  	s0 =	srdreg.scid  }
0x2: {  	s4 =	rddreg [dreg:$0x0];
	s1 =	stileid.u32  }
0x3: {  	s5 =	simm.s32 $0x1;
	s7 =	simm.s32 $0x2;
	s0 =	sshll.u32 s0, $0x4  }
0x4: {  	s11 =	simm.s32 $0x0;
	p0 =	por $0x0, $0x0;
	s2 =	sand.u32 $0x10, s0  }
.Ltmp0:
0x5: {  	s8 =	simm.s32 $0x5F6000;
	s3 =	sor.u32 s1, s2;
	(pc) =	sbr.rel .LBB1_1-.Ltmp0, $4  }
0x6: {  	s0 =	rddreg [dreg:$0x1];
	_ =	strace $0x80000047;
	s3 =	sshll.u32 s3, $0x7  }
0x7: {  	s10 =	simm.s32 $0x0;
	s2 =	sadd.s32 $0xC10400, s4;
	s6 =	ssub.s32 $0xBEB80, s3  }
0x8: {  	s4 =	sadd.s32 $0x2200, s4;
	[sflag:s5] =	ssyncpa.u1 $0x0;
	s6 =	sshrl.u32 s6, $0xC  }
0x9: {  	[sflag:s7] =	ssyncpa.u1 $0x0;
	s9 =	smov.u32 s3;
	s7 =	sadd.s32 $0x2, s6  }
.LBB1_5:
0xa: {  	s13 =	sadd.s32 $0x1000, s9  }
0xb: {  	p2 =	sgt.s32 s13, $0xBEBC1  }
0xc: {  	s13 =	smov.u32 @p2 s3;
	p2 =	sne.s32 s10, s7  }
.Ltmp1:
0xd: {  	p1 =	slt.u32 s10, $0x2;
	(pc) =	sbr.rel @!p2 .LBB1_6-.Ltmp1, $4  }
0xe: {  	s12 =	simm.s32 @!p1 $0x2  }
0xf: {  	s14 =	sadd.s32 $0x1, s10;
	_ =	swait.ge @!p1 [sflag:s12], $0x4000  }
0x10: {  	s11 =	smov.u32 s9;
	p0 =	por !p0, !p0;
	[sflag:s12] =	ssyncset.done @!p1 $0x0  }
0x11: {  	s10 =	smov.u32 s14;
	s9 =	smov.u32 s13;
	[sflag:s12] =	ssyncadd.s32 @!p1 $0xFFFFC000  }
.LBB1_1:
0x12: {  	p1 =	sgt.u32 s10, s6  }
0x13: {  	s12 =	sand.u32 @!p1 $0x1FFFFFF, s9  }
0x14: {  	p2 =	sgt.s32 @!p1 s9, $0xBEB48;
	s13 =	smulhi.u32 @!p1 $0x2AF3083, s12  }
0x15: {  	s14 =	smov.u32 s9;
	s15 =	sshra.s32 @!p1 s9, $0x1F;
	p2 =	por !p2, p1  }
0x16: {  	s15 =	sand.u32 @!p1 s15, s9;
	s14 =	simm.s32 @p2 $0xBEB48;
	s13 =	sshrl.u32 @!p1 s13, $0xD  }
0x17: {  	s14 =	ssub.s32 @!p1 s14, s15;
	s13 =	smul.u32 @!p1 $0xBEBC8, s13  }
0x18: {  	s15 =	sxor.u32 @!p1 $0xFFFFFFFF, s10;
	s14 =	sadd.s32 @!p1 $0xFFF414B8, s14  }
0x19: {  	s15 =	sshll.u32 @!p1 s15, $0xE;
	s12 =	ssub.s32 @!p1 s12, s13;
	s13 =	sshll.u32 @!p1 s14, $0x9  }
0x1a: {  	s15 =	sand.u32 @!p1 $0x4000, s15;
	p2 =	sgt.s32 @!p1 s14, $0x7F;
	s13 =	ssub.s32 @!p1 $0x10000, s13  }
0x1b: {  	p2 =	por !p2, p1;
	s12 =	sshll.u32 @!p1 s12, $0x4;
	s13 =	sshrl.u32 @!p1 s13, $0x2  }
0x1c: {  	s14 =	simm.s32 @!p1 $0x0;
	s12 =	sadd.s32 @!p1 s2, s12;
	s13 =	simm.s32 @!p2 $0x0  }
0x1d: {  	[tilespmem:s15], [sflag:$0x1] =	stream.linear.gather @!p1 [hbm4b:s12+s14], s13, $0x38;
	[tilespmem:$0x10100] =	vst v63  }
0x1e: {  	p1 =	seq.s32 s10, $0x0  }
0x1f: {  	p2 =	sge.u32 @!p1 s10, s7  }
0x20: {  	p1 =	por p1, p2  }
.Ltmp2:
0x21: {  	_ = 	snop;
	(pc) =	sbr.rel @p1 .LBB1_5-.Ltmp2, $1  }
0x22: {  	_ =	sdelay $0x3  }
0x23: {  	p1 =	sgt.s32 s11, $0xBEB48;
	s12 =	smov.u32 s11;
	s13 =	sshra.s32 s11, $0x1F  }
0x24: {  	s12 =	simm.s32 @!p1 $0xBEB48;
	s13 =	sand.u32 s13, s11  }
0x25: {  	s12 =	ssub.s32 s12, s13  }
0x26: {  	s12 =	sadd.s32 $0xFFF414B8, s12  }
0x27: {  	s29 =	sshll.u32 s12, $0x9  }
0x28: {  	s13 =	ssub.s32 $0x10000, s29  }
0x29: {  	p1 =	sgt.s32 s12, $0x7F;
	s12 =	sshrl.u32 s13, $0x2  }
0x2a: {  	s13 =	simm.s32 $0x1;
	s12 =	simm.s32 @p1 $0x0  }
0x2b: {  	s13 =	simm.s32 @!p0 $0x0;
	_ =	swait.ge [sflag:s5], s12  }
0x2c: {  	s14 =	sshll.u32 s13, $0xE;
	s12 =	ssub.s32 $0x0, s12;
	[sflag:s5] =	ssyncset.done $0x0  }
0x2d: {  	s15 =	sor.u32 $0x40, s14;
	[sflag:s5] =	ssyncadd.s32 s12  }
0x2e: {  	s30 =	smul.u32 $0x10200, s13;
	v0 =	vld [tilespmem:s15+$0x30]  }
0x2f: {  	v1 =	vld [tilespmem:s15+$0xFFFFFFD0]  }
0x30: {  	s12 =	sshrl.u32 s30, $0x2;
	v5 =	vld [tilespmem:s15+$0xFFFFFFE0]  }
0x31: {  	s13 =	sor.u32 $0x8000, s12;
	v6 =	vld [tilespmem:s15+$0xFFFFFFF0]  }
0x32: {  	s31 =	sand.u32 $0x1, s10;
	v2 =	vld [tilespmem:s15+$0x0];
	s14 =	sadd.s32 $0x0, s13  }
0x33: {  	s12 =	smul.u32 $0x10200, s31;
	v3 =	vld [tilespmem:s15+$0x10];
	[tilespmem:s14+$0x3870 ss:$0x81] =	vst.msk $0xffff, v0  }
0x34: {  	v4 =	vld [tilespmem:s15+$0x20];
	[tilespmem:s14+$0x810 ss:$0x81] =	vst.msk $0xffff, v1  }
0x35: {  	s12 =	sshrl.u32 s12, $0x2;
	v0 =	vld [tilespmem:s15+$0xFFFFFFC0];
	[tilespmem:s14+$0x1020 ss:$0x81] =	vst.msk $0xffff, v5;
	s15 =	sadd.s32 $0x80, s15  }
0x36: {  	s16 =	simm.s32 $0x4;
	s17 =	simm.s32 $0x8;
	s12 =	sor.u32 $0x8000, s12;
	[tilespmem:s14+$0x1830 ss:$0x81] =	vst.msk $0xffff, v6;
	v1 =	vld [tilespmem:s15+$0x30]  }
.LBB1_3:
0x37: {  	p1 =	sne.s32 s17, $0x1FC;
	v5 =	vld [tilespmem:s15+$0xFFFFFFD0];
	[tilespmem:s14+$0x2040 ss:$0x81] =	vst.msk $0xffff, v2  }
0x38: {  	v6 =	vld [tilespmem:s15+$0xFFFFFFE0];
	[tilespmem:s14+$0x2850 ss:$0x81] =	vst.msk $0xffff, v3  }
0x39: {  	s18 =	sshra.s32 s16, $0x2;
	s16 =	smov.u32 s17;
	v7 =	vld [tilespmem:s15+$0xFFFFFFF0];
	[tilespmem:s14+$0x3060 ss:$0x81] =	vst.msk $0xffff, v4  }
.Ltmp3:
0x3a: {  	v2 =	vld [tilespmem:s15+$0x0];
	[tilespmem:s14+$0x0 ss:$0x81] =	vst.msk $0xffff, v0;
	s14 =	sadd.s32 s18, s13;
	(pc) =	sbr.rel @p1 .LBB1_3-.Ltmp3, $4  }
0x3b: {  	v3 =	vld [tilespmem:s15+$0x10];
	[tilespmem:s14+$0x3870 ss:$0x81] =	vst.msk $0xffff, v1  }
0x3c: {  	[tilespmem:s14+$0x810 ss:$0x81] =	vst.msk $0xffff, v5;
	v4 =	vld [tilespmem:s15+$0x20]  }
0x3d: {  	v0 =	vld [tilespmem:s15+$0xFFFFFFC0];
	[tilespmem:s14+$0x1020 ss:$0x81] =	vst.msk $0xffff, v6;
	s15 =	sadd.s32 $0x80, s15  }
0x3e: {  	s17 =	sadd.s32 $0x4, s17;
	v1 =	vld [tilespmem:s15+$0x30];
	[tilespmem:s14+$0x1830 ss:$0x81] =	vst.msk $0xffff, v7  }
0x3f: {  	v5 =	vld [tilespmem:s15+$0xFFFFFFD0];
	[tilespmem:s14+$0x2040 ss:$0x81] =	vst.msk $0xffff, v2  }
0x40: {  	v58 =	vld [tilespmem:s15+$0xFFFFFFE0];
	[tilespmem:s14+$0x2850 ss:$0x81] =	vst.msk $0xffff, v3  }
0x41: {  	s16 =	sshra.s32 s16, $0x2;
	v59 =	vld [tilespmem:s15+$0xFFFFFFF0];
	s17 =	sshll.u32 s11, $0x3;
	[tilespmem:s14+$0x3060 ss:$0x81] =	vst.msk $0xffff, v4  }
0x42: {  	v60 =	vld [tilespmem:s15+$0x0];
	s13 =	sadd.s32 s16, s13;
	s26 =	sshrl.u32 s17, $0xA;
	[tilespmem:s14+$0x0 ss:$0x81] =	vst.msk $0xffff, v0  }
0x43: {  	v61 =	vld [tilespmem:s15+$0x10];
	s14 =	smulhi.u32 $0x55E47D, s26;
	[tilespmem:s13+$0x3870 ss:$0x81] =	vst.msk $0xffff, v1  }
0x44: {  	v62 =	vld [tilespmem:s15+$0x20];
	s27 =	sand.u32 $0x7F, s11;
	[tilespmem:s13+$0x810 ss:$0x81] =	vst.msk $0xffff, v5  }
0x45: {  	v63 =	vld [tilespmem:s15+$0xFFFFFFC0];
	s28 =	sand.u32 $0xFFFFFC00, s17;
	[tilespmem:s13+$0x1020 ss:$0x81] =	vst.msk $0xffff, v58;
	s29 =	smul.u32 $0xBEC00, s14;
	s14 =	sand.u32 $0x7F, s14  }
0x46: {  	s11 =	sor.u32 s27, s28;
	[tilespmem:s13+$0x1830 ss:$0x81] =	vst.msk $0xffff, v59;
	s14 =	smul.u32 $0x17D80, s14  }
.Ltmp4:
0x47: {  	[tilespmem:s13+$0x2040 ss:$0x81] =	vst.msk $0xffff, v60;
	s11 =	ssub.s32 s11, s29;
	(pc) =	sbr.rel .LBB1_5-.Ltmp4, $4  }
0x48: {  	[tilespmem:s13+$0x2850 ss:$0x81] =	vst.msk $0xffff, v61;
	s30 =	sand.u32 $0x7, s11  }
0x49: {  	[tilespmem:s13+$0x3060 ss:$0x81] =	vst.msk $0xffff, v62;
	s11 =	sshrl.u32 s11, $0x3;
	s14 =	sadd.s32 s4, s14;
	s15 =	sshll.u32 s30, $0x12  }
0x4a: {  	[tilespmem:s13+$0x0 ss:$0x81] =	vst.msk $0xffff, v63;
	s11 =	sadd.s32 s11, s14;
	s31 =	sor.u32 $0x400, s15  }
0x4b: {  	[hbm4b:s11+s31] =	stream.strided.scatter [tilespmem:s12], [sflag:$0x2], $0x4000, s8, s31, $0x20;
	[tilespmem:$0x10100] =	vst v63  }
.LBB1_6:
0x4c: {  	_ =	sfence.sel $0x180000  }
0x4d: {  	s2 =	simm.s32 $0x1;
	[bflag:$0x0] =	sbarrier.arrive $0xFFFF  }
0x4e: {  	s31 =	simm.s32 $0x2;
	[sflag:s2] =	ssyncpa.u1 $0x1  }
0x4f: {  	[sflag:s31] =	ssyncpa.u1 $0x1  }
0x50: {  	p0 =	sne.s32 s1, $0x0;
	_ =	strace $0x90000047  }
0x51: {  	s0 =	sadd.s32 @!p0 $0x100000, s0;
	[bflag:$0x2] =	sbarrier.arrive $0xFFFF  }
0x52: {  	[sflag:s0] =	ssyncadd.tile.s32 @!p0 $0x1;
	_ =	shalt  }
.Lfunc_end1:
_tile_overlayer_lowered:
.L_overlay_start_2:
0x53: {  	(tag) =	ssettag $0x2  }
0x54: {  	s0 =	rddreg [dreg:$0x0];
	s2 =	stileid.u32  }
0x55: {  	s1 =	rddreg [dreg:$0x1];
	p0 =	sne.s32 s2, $0x0  }
0x56: {  	s3 =	rddreg [dreg:$0x2];
	[bflag:$0x3] =	sbarrier.arrive $0xFFFF;
	s2 =	simm.s32 @!p0 $0x1C01  }
0x57: {  	[timem:s3], [sflag:s2] =	dma.local @!p0 [hbm:s0], s1  }
0x58: {  	s0 =	simm.s32 @!p0 $0x1  }
0x59: {  	_ =	swait.ge @!p0 [sflag:s0], s1  }
0x5a: {  	s1 =	ssub.s32 @!p0 $0x0, s1;
	[sflag:s0] =	ssyncset.done @!p0 $0x0  }
0x5b: {  	[sflag:s0] =	ssyncadd.s32 @!p0 s1  }
0x5c: {  	[bflag:$0x3] =	sbarrier.arrive $0xFFFF  }
0x5d: {  	_ =	shalt  }

// kernel: sparse-core-data-format-call.cloned.1.call-start
scs
called_computation.1_lowered:
.L_overlay_start_0:
0x0: {  	s1 =	sld [smem:$0x3FD9]  }
0x1: {  	s2 =	sld [smem:$0x3FFE];
	_ =	sdelay $0x1  }
0x2: {  	s3 =	srdreg.scid  }
0x3: {  	s0 =	sand.u32 $0x1, s3  }
0x4: {  	s17 =	sshll.u32 s0, $0xA;
	s1 =	sadd.s32 s2, s1  }
0x5: {  	s1 =	sadd.s32 s1, s17  }
0x6: {  	[smem:$0x3FBA] =	sst s1  }
0x7: {  	_ = 	snop  }
0x8: {  	(tm) =	ssettm $0x1  }
0x9: {  	s18 =	sld [smem:$0x3FFB];
	_ =	sdelay $0x3  }
0xa: {  	_ =	strace s18  }
0xb: {  	s1 =	sld [smem:$0x3FFC];
	_ =	sdelay $0x3  }
0xc: {  	_ =	strace s1  }
0xd: {  	s1 =	sld [smem:$0x3FFD];
	_ =	sdelay $0x3  }
0xe: {  	_ =	strace s1  }
0xf: {  	_ =	strace $0x8FFFFFFF  }
0x10: {  	s19 =	sld [smem:$0x3FDB];
	_ =	sdelay $0x1  }
0x11: {  	s20 =	simm.s32 $_scs_section_size  }
0x12: {  	s4 =	simm.s32 $_size__tile_overlayer_lowered;
	s5 =	simm.s32 $_tile_overlayer_lowered  }
0x13: {  	s23 =	simm.s32 $0x1BFF;
	s22 =	sshll.u32 s5, $0x1;
	s1 =	sadd.s32 s20, s19  }
0x14: {  	s6 =	simm.s32 $0x0;
	s21 =	sshll.u32 s4, $0x1;
	s4 =	sadd.s32 s22, s1  }
0x15: {  	[timem:s6], [sflag:s23] =	dma.local [hbm:s4], s21  }
0x16: {  	_ =	swait.ge [sflag:s23], s21  }
0x17: {  	s2 =	ssub.s32 $0x0, s21;
	[sflag:s23] =	ssyncset.done $0x0  }
0x18: {  	[sflag:s23] =	ssyncadd.s32 s2;
	_ =	sdelay $0x1  }
0x19: {  	s24 =	simm.s32 $0x1B8B  }
0x1a: {  	_ =	swait.ge [sflag:s24], $0x1  }
0x1b: {  	[sflag:s24] =	ssyncset.done $0x0  }
0x1c: {  	s26 =	simm.s32 $0x1B8E;
	s25 =	sld [smem:$0x3FFE];
	[sflag:s24] =	ssyncadd.s32 $0xFFFFFFFF  }
0x1d: {  	s27 =	simm.s32 $execute0_lowered;
	[smem:$0x3FD2] =	sst s26  }
0x1e: {  	s4 =	sshll.u32 s27, $0x1;
	_ =	strace $0x80000049;
	[dreg:$0x1] =	wrdreg $0xFFFFFFFF  }
0x1f: {  	s28 =	simm.s32 $_size_execute0_lowered;
	s1 =	sadd.s32 s1, s4;
	[dreg:$0x0] =	wrdreg $0x0  }
0x20: {  	s4 =	sshll.u32 s28, $0x1;
	[dreg:$0x2] =	wrdreg s1  }
0x21: {  	[dreg:$0x3] =	wrdreg s4  }
0x22: {  	[dreg:$0x4] =	wrdreg $0xC0  }
0x23: {  	_ =	task [dreg:s6], $0x5FFFF  }
0x24: {  	[dreg:$0x1] =	wrdreg $0xFFFFFFFF  }
0x25: {  	[dreg:$0x0] =	wrdreg $0x60  }
0x26: {  	[dreg:$0x2] =	wrdreg s25  }
0x27: {  	[dreg:$0x3] =	wrdreg $0x9  }
0x28: {  	_ =	task.clear_ibuf [dreg:s6], $0x4FFFF;
	_ =	strace $0x90000049  }
0x29: {  	s29 =	simm.s32 $0x9;
	_ =	strace $0x8000004B  }
0x2a: {  	_ =	swait.ge [sflag:s29], $0x1  }
0x2b: {  	[sflag:s29] =	ssyncadd.s32 $0xFFFFFFFF  }
0x2c: {  	_ =	strace $0x9000004B  }
0x2d: {  	_ =	sfence  }
0x2e: {  	s30 =	sld [smem:$0x0];
	_ =	sdelay $0x2  }
0x2f: {  	s31 =	sshll.u32 s3, $0xD;
	s3 =	sshrl.u32 s3, $0x2  }
0x30: {  	s2 =	sand.u32 $0x4000, s31;
	s1 =	sadd.s32 s3, s30  }
0x31: {  	s0 =	sor.u32 s2, s0;
	s1 =	sshll.u32 s1, $0x11  }
0x32: {  	s0 =	sor.u32 s1, s0  }
0x33: {  	s0 =	sadd.s32 $0x8F2B, s0  }
0x34: {  	[sflag:s0] =	ssyncadd.remote.s32 $0x1  }
0x35: {  	_ =	sfence.sel $0xFFFF  }
0x36: {  	[dreg:$0x0] =	wrdreg $0xFFFFFFFF;
	(pc) =	sbr.abs _section_cstart, $3  }
0x37: {  	[dreg:$0x1] =	wrdreg $0xFFFFFFFF  }
0x38: {  	_ =	task.clear_ibuf [dreg:s6], $0x2FFFF;
	_ =	strace $0x9FFFFFFF  }
0x39: {  	(tm) =	ssettm $0x7FFFFFFF  }
tec
execute0_lowered:
.L_overlay_start_1:
0x0: {  	(tag) =	ssettag $0x1  }
0x1: {  	s0 =	srdreg.scid  }
0x2: {  	s4 =	rddreg [dreg:$0x0];
	s1 =	stileid.u32  }
0x3: {  	s5 =	simm.s32 $0x1;
	s7 =	simm.s32 $0x2;
	s14 =	simm.s32 $0x0  }
0x4: {  	p0 =	por $0x0, $0x0;
	s13 =	simm.s32 $0x0;
	s0 =	sshll.u32 s0, $0x4  }
0x5: {  	s8 =	simm.s32 $0x0;
	s9 =	simm.s32 $0x0;
	s2 =	sand.u32 $0x10, s0  }
.Ltmp0:
0x6: {  	s11 =	simm.s32 $0x0;
	s3 =	sor.u32 s1, s2;
	(pc) =	sbr.rel .LBB1_1-.Ltmp0, $4  }
0x7: {  	s0 =	rddreg [dreg:$0x1];
	_ =	strace $0x8000004A;
	s3 =	sshll.u32 s3, $0x7  }
0x8: {  	s12 =	simm.s32 $0x0;
	s2 =	sadd.s32 $0xC10400, s4;
	s6 =	ssub.s32 $0xBEB80, s3  }
0x9: {  	s4 =	sadd.s32 $0x2200, s4;
	[sflag:s5] =	ssyncpa.u1 $0x0;
	s6 =	sshrl.u32 s6, $0xC  }
0xa: {  	[sflag:s7] =	ssyncpa.u1 $0x0;
	s10 =	smov.u32 s3;
	s7 =	sadd.s32 $0x2, s6  }
.LBB1_5:
0xb: {  	p1 =	slt.u32 s12, $0x2  }
0xc: {  	p2 =	sgt.s32 @!p1 s14, $0xBEB48  }
0xd: {  	s15 =	smov.u32 s14;
	s16 =	sshra.s32 @!p1 s14, $0x1F;
	p2 =	por !p2, p1  }
0xe: {  	s14 =	sand.u32 @!p1 s16, s14;
	s15 =	simm.s32 @p2 $0xBEB48  }
0xf: {  	s14 =	ssub.s32 @!p1 s15, s14;
	s15 =	ssub.s32 @!p1 $0x0, s13  }
0x10: {  	s17 =	smov.u32 s11;
	s16 =	sadd.s32 @!p1 $0xFFF414B8, s14;
	s13 =	smin.u32 @!p1 s13, s15  }
0x11: {  	s14 =	ssub.s32 @!p1 $0xBEBC8, s14;
	p2 =	sgt.s32 @!p1 s16, $0x7F;
	p3 =	sgt.s32 @!p1 s13, $0x7F  }
0x12: {  	s13 =	ssub.s32 @!p1 $0x80, s13;
	p2 =	por !p2, p1;
	p3 =	por !p3, p1  }
0x13: {  	s15 =	sadd.s32 $0x1000, s10;
	s14 =	simm.s32 @!p2 $0x0;
	s13 =	simm.s32 @!p3 $0x0  }
0x14: {  	p2 =	sgt.s32 s15, $0xBEBC1;
	s13 =	smul.u32 @!p1 s13, s14;
	s14 =	sadd.s32 $0x80, s11  }
0x15: {  	s17 =	smov.u32 @p2 s14  }
0x16: {  	s15 =	smov.u32 @p2 s3;
	p2 =	sgt.s32 s17, $0x7F  }
0x17: {  	s17 =	simm.s32 @p2 $0x0;
	p2 =	sne.s32 s12, s7  }
.Ltmp1:
0x18: {  	p0 =	por !p0, !p0;
	s16 =	simm.s32 @!p1 $0x2;
	(pc) =	sbr.rel @!p2 .LBB1_6-.Ltmp1, $4  }
0x19: {  	s14 =	smov.u32 s8;
	s8 =	smov.u32 s10;
	s13 =	sand.u32 @!p1 $0x3FFFFFFF, s13  }
0x1a: {  	s10 =	smov.u32 s15;
	_ =	swait.ge @!p1 [sflag:s16], s13;
	s18 =	ssub.s32 @!p1 $0x0, s13  }
0x1b: {  	s13 =	smov.u32 s9;
	s12 =	sadd.s32 $0x1, s12;
	[sflag:s16] =	ssyncset.done @!p1 $0x0  }
0x1c: {  	s9 =	smov.u32 s11;
	s11 =	smov.u32 s17;
	[sflag:s16] =	ssyncadd.s32 @!p1 s18  }
.LBB1_1:
0x1d: {  	p1 =	sgt.u32 s12, s6  }
0x1e: {  	s15 =	sshrl.u32 @!p1 s11, $0x3  }
0x1f: {  	s16 =	sshll.u32 @!p1 s10, $0x3;
	s15 =	smul.u32 @!p1 $0x5F6000, s15  }
0x20: {  	s16 =	sand.u32 @!p1 $0xFFFFFC00, s16  }
0x21: {  	s15 =	sadd.s32 @!p1 s15, s16  }
0x22: {  	s16 =	sshrl.u32 @!p1 s15, $0xA  }
0x23: {  	s17 =	sshll.u32 @!p1 s11, $0x7;
	s16 =	smulhi.u32 @!p1 $0x55E47D, s16  }
0x24: {  	s18 =	sand.u32 @!p1 $0x7F, s10;
	s17 =	sand.u32 @!p1 $0x380, s17  }
0x25: {  	s17 =	sor.u32 @!p1 s18, s17;
	s18 =	smul.u32 @!p1 $0xBEC00, s16  }
0x26: {  	s15 =	sor.u32 @!p1 s15, s17;
	s17 =	sxor.u32 @!p1 $0xFFFFFFFF, s12  }
0x27: {  	s17 =	sshll.u32 @!p1 s17, $0xE;
	s16 =	sand.u32 @!p1 $0x7F, s16;
	s15 =	ssub.s32 @!p1 s15, s18  }
0x28: {  	s16 =	smul.u32 @!p1 $0x17D80, s16;
	s18 =	sshrl.u32 @!p1 s15, $0x3;
	s15 =	sand.u32 @!p1 $0x7, s15  }
0x29: {  	s17 =	sand.u32 @!p1 $0x4000, s17;
	s18 =	sadd.s32 @!p1 s2, s18;
	s15 =	sshll.u32 @!p1 s15, $0x12  }
0x2a: {  	s16 =	sadd.s32 @!p1 s16, s18;
	s15 =	sor.u32 @!p1 $0x400, s15;
	s18 =	simm.s32 @!p1 $0x5F6000  }
0x2b: {  	[tilespmem:s17], [sflag:$0x1] =	stream.strided.gather @!p1 [hbm4b:s16+s15], $0x4000, s18, s15, $0x38;
	[tilespmem:$0x10100] =	vst v63  }
0x2c: {  	p1 =	seq.s32 s12, $0x0  }
0x2d: {  	p2 =	sge.u32 @!p1 s12, s7  }
0x2e: {  	p1 =	por p1, p2  }
.Ltmp2:
0x2f: {  	_ = 	snop;
	(pc) =	sbr.rel @p1 .LBB1_5-.Ltmp2, $1  }
0x30: {  	_ =	sdelay $0x3  }
0x31: {  	s15 =	simm.s32 $0x1  }
0x32: {  	_ =	swait.ge [sflag:s5], $0x4000;
	s15 =	simm.s32 @!p0 $0x0  }
0x33: {  	[sflag:s5] =	ssyncset.done $0x0;
	s16 =	sshll.u32 s15, $0xE  }
0x34: {  	[sflag:s5] =	ssyncadd.s32 $0xFFFFC000;
	s16 =	sor.u32 $0x40, s16  }
0x35: {  	s15 =	smul.u32 $0x10200, s15;
	v0 =	vld [tilespmem:s16+$0x30]  }
0x36: {  	v1 =	vld [tilespmem:s16+$0xFFFFFFD0]  }
0x37: {  	s15 =	sshrl.u32 s15, $0x2;
	v5 =	vld [tilespmem:s16+$0xFFFFFFE0]  }
0x38: {  	v6 =	vld [tilespmem:s16+$0xFFFFFFF0];
	s18 =	sor.u32 $0x8000, s15  }
0x39: {  	s31 =	sand.u32 $0x1, s12;
	v4 =	vld [tilespmem:s16+$0x0];
	s17 =	sadd.s32 $0x0, s18  }
0x3a: {  	v3 =	vld [tilespmem:s16+$0x10];
	s15 =	smul.u32 $0x10200, s31;
	[tilespmem:s17+$0x3870 ss:$0x81] =	vst.msk $0xffff, v0  }
0x3b: {  	v2 =	vld [tilespmem:s16+$0x20];
	[tilespmem:s17+$0x810 ss:$0x81] =	vst.msk $0xffff, v1  }
0x3c: {  	s15 =	sshrl.u32 s15, $0x2;
	v0 =	vld [tilespmem:s16+$0xFFFFFFC0];
	[tilespmem:s17+$0x1020 ss:$0x81] =	vst.msk $0xffff, v5;
	s16 =	sadd.s32 $0x80, s16  }
0x3d: {  	s19 =	simm.s32 $0x4;
	s20 =	simm.s32 $0x8;
	s15 =	sor.u32 $0x8000, s15;
	[tilespmem:s17+$0x1830 ss:$0x81] =	vst.msk $0xffff, v6;
	v1 =	vld [tilespmem:s16+$0x30]  }
.LBB1_3:
0x3e: {  	p1 =	sne.s32 s20, $0x1FC;
	v5 =	vld [tilespmem:s16+$0xFFFFFFD0];
	[tilespmem:s17+$0x2040 ss:$0x81] =	vst.msk $0xffff, v4  }
0x3f: {  	v6 =	vld [tilespmem:s16+$0xFFFFFFE0];
	[tilespmem:s17+$0x2850 ss:$0x81] =	vst.msk $0xffff, v3  }
0x40: {  	s21 =	sshra.s32 s19, $0x2;
	s19 =	smov.u32 s20;
	v7 =	vld [tilespmem:s16+$0xFFFFFFF0];
	[tilespmem:s17+$0x3060 ss:$0x81] =	vst.msk $0xffff, v2  }
.Ltmp3:
0x41: {  	v4 =	vld [tilespmem:s16+$0x0];
	[tilespmem:s17+$0x0 ss:$0x81] =	vst.msk $0xffff, v0;
	s17 =	sadd.s32 s21, s18;
	(pc) =	sbr.rel @p1 .LBB1_3-.Ltmp3, $4  }
0x42: {  	v3 =	vld [tilespmem:s16+$0x10];
	[tilespmem:s17+$0x3870 ss:$0x81] =	vst.msk $0xffff, v1  }
0x43: {  	[tilespmem:s17+$0x810 ss:$0x81] =	vst.msk $0xffff, v5;
	v2 =	vld [tilespmem:s16+$0x20]  }
0x44: {  	v0 =	vld [tilespmem:s16+$0xFFFFFFC0];
	[tilespmem:s17+$0x1020 ss:$0x81] =	vst.msk $0xffff, v6;
	s16 =	sadd.s32 $0x80, s16  }
0x45: {  	s20 =	sadd.s32 $0x4, s20;
	v1 =	vld [tilespmem:s16+$0x30];
	[tilespmem:s17+$0x1830 ss:$0x81] =	vst.msk $0xffff, v7  }
0x46: {  	s20 =	sshll.u32 s8, $0x7;
	s21 =	sshll.u32 s9, $0x3;
	s19 =	sshra.s32 s19, $0x2  }
0x47: {  	v5 =	vld [tilespmem:s16+$0xFFFFFFD0];
	[tilespmem:s17+$0x2040 ss:$0x81] =	vst.msk $0xffff, v4;
	p1 =	sgt.s32 s8, $0xBEB48;
	s22 =	sand.u32 $0xFFFFFC00, s20;
	s21 =	sand.u32 $0xFFFFFC00, s21  }
0x48: {  	v58 =	vld [tilespmem:s16+$0xFFFFFFE0];
	s24 =	sshra.s32 s8, $0x1F;
	s20 =	sand.u32 $0x380, s20;
	[tilespmem:s17+$0x2850 ss:$0x81] =	vst.msk $0xffff, v3;
	s21 =	sadd.s32 s21, s22  }
0x49: {  	v59 =	vld [tilespmem:s16+$0xFFFFFFF0];
	s26 =	ssub.s32 $0x0, s9;
	s18 =	sadd.s32 s19, s18;
	[tilespmem:s17+$0x3060 ss:$0x81] =	vst.msk $0xffff, v2;
	s23 =	sor.u32 s20, s21  }
0x4a: {  	v60 =	vld [tilespmem:s16+$0x0];
	s28 =	smin.u32 s9, s26;
	s20 =	smov.u32 s8;
	[tilespmem:s17+$0x0 ss:$0x81] =	vst.msk $0xffff, v0;
	s19 =	sshrl.u32 s23, $0x7  }
0x4b: {  	v61 =	vld [tilespmem:s16+$0x10];
	s21 =	sand.u32 s24, s8;
	s20 =	simm.s32 @!p1 $0xBEB48;
	[tilespmem:s18+$0x3870 ss:$0x81] =	vst.msk $0xffff, v1;
	s25 =	smulhi.u32 $0x2AF3083, s19  }
0x4c: {  	v62 =	vld [tilespmem:s16+$0x20];
	s29 =	sshrl.u32 s9, $0x3;
	p2 =	sgt.s32 s28, $0x7F;
	s20 =	ssub.s32 s20, s21;
	[tilespmem:s18+$0x810 ss:$0x81] =	vst.msk $0xffff, v5  }
0x4d: {  	v63 =	vld [tilespmem:s16+$0xFFFFFFC0];
	[tilespmem:s18+$0x1020 ss:$0x81] =	vst.msk $0xffff, v58;
	s21 =	sadd.s32 $0xFFF414B8, s20;
	s20 =	ssub.s32 $0xBEBC8, s20;
	s17 =	sshrl.u32 s25, $0xD  }
0x4e: {  	[tilespmem:s18+$0x1830 ss:$0x81] =	vst.msk $0xffff, v59;
	p1 =	sgt.s32 s21, $0x7F;
	s27 =	smul.u32 $0xBEBC8, s17;
	s17 =	ssub.s32 $0x80, s28  }
.Ltmp4:
0x4f: {  	[tilespmem:s18+$0x2040 ss:$0x81] =	vst.msk $0xffff, v60;
	s20 =	simm.s32 @p1 $0x0;
	s17 =	simm.s32 @p2 $0x0;
	(pc) =	sbr.rel .LBB1_5-.Ltmp4, $4  }
0x50: {  	s30 =	sand.u32 $0xF, s29;
	[tilespmem:s18+$0x2850 ss:$0x81] =	vst.msk $0xffff, v61;
	s16 =	ssub.s32 s19, s27;
	s17 =	smul.u32 s17, s20  }
0x51: {  	[tilespmem:s18+$0x3060 ss:$0x81] =	vst.msk $0xffff, v62;
	s19 =	sadd.s32 s4, s30;
	s16 =	sshll.u32 s16, $0x4  }
0x52: {  	s31 =	sand.u32 $0x7, s9;
	[tilespmem:s18+$0x0 ss:$0x81] =	vst.msk $0xffff, v63;
	s17 =	sand.u32 $0x3FFFFFFF, s17;
	s16 =	sadd.s32 s16, s19  }
0x53: {  	[hbm4b:s16+s31] =	stream.linear.scatter [tilespmem:s15], [sflag:$0x2], s17, $0x20;
	[tilespmem:$0x10100] =	vst v63  }
.LBB1_6:
0x54: {  	_ =	sfence.sel $0x180000  }
0x55: {  	s2 =	simm.s32 $0x1;
	[bflag:$0x0] =	sbarrier.arrive $0xFFFF  }
0x56: {  	s31 =	simm.s32 $0x2;
	[sflag:s2] =	ssyncpa.u1 $0x1  }
0x57: {  	[sflag:s31] =	ssyncpa.u1 $0x1  }
0x58: {  	p0 =	sne.s32 s1, $0x0;
	_ =	strace $0x9000004A  }
0x59: {  	s0 =	sadd.s32 @!p0 $0x100000, s0;
	[bflag:$0x2] =	sbarrier.arrive $0xFFFF  }
0x5a: {  	[sflag:s0] =	ssyncadd.tile.s32 @!p0 $0x1;
	_ =	shalt  }
.Lfunc_end1:
_tile_overlayer_lowered:
.L_overlay_start_2:
0x5b: {  	(tag) =	ssettag $0x2  }
0x5c: {  	s0 =	rddreg [dreg:$0x0];
	s2 =	stileid.u32  }
0x5d: {  	s1 =	rddreg [dreg:$0x1];
	p0 =	sne.s32 s2, $0x0  }
0x5e: {  	s3 =	rddreg [dreg:$0x2];
	[bflag:$0x3] =	sbarrier.arrive $0xFFFF;
	s2 =	simm.s32 @!p0 $0x1C01  }
0x5f: {  	[timem:s3], [sflag:s2] =	dma.local @!p0 [hbm:s0], s1  }
0x60: {  	s0 =	simm.s32 @!p0 $0x1  }
0x61: {  	_ =	swait.ge @!p0 [sflag:s0], s1  }
0x62: {  	s1 =	ssub.s32 @!p0 $0x0, s1;
	[sflag:s0] =	ssyncset.done @!p0 $0x0  }
0x63: {  	[sflag:s0] =	ssyncadd.s32 @!p0 s1  }
0x64: {  	[bflag:$0x3] =	sbarrier.arrive $0xFFFF  }
0x65: {  	_ =	shalt  }

</sc_bundles>
